<compile_context>
chip_gen: v7x
topology: tpu7x:2x2x1
jax: 0.10.2.dev20260603
libtpu: 0.0.44.dev20260713+nightly
codegen_flags: <defaults>
</compile_context>

<pallas_src>
import jax
import jax.numpy as jnp
from jax.experimental import pallas as pl
from jax.experimental.pallas import tpu as pltpu
from jax.experimental.pallas import tpu_sc as plsc

_B, _C, _H, _W = 4, 16, 32, 32
_K = 3
_NC = 32
_D = _C * _K * _K
_MD = 2 * _D
_N = _B * _H * _W
_ITERS = 26
_SC_ROWS = 512
_TC_ROWS = _N - _SC_ROWS
_LANES = 16


def _unfold_cols(x):
    pb = (_K - 1) // 2
    pe = (_K - 1) - pb
    xp = jnp.pad(x, ((0, 0), (0, 0), (pb, pe), (pb, pe)))
    hout = xp.shape[2] - _K + 1
    wout = xp.shape[3] - _K + 1
    patches = jnp.stack([xp[:, :, i:i + hout, j:j + wout]
                         for i in range(_K) for j in range(_K)], axis=2)
    u = patches.reshape(x.shape[0], _D, hout * wout)
    return jnp.transpose(u, (1, 0, 2)).reshape(_D, -1)


def _wos_block(inp_ref, mask_ref, w_ref, bias_ref, out_ref):
    inp = inp_ref[...]
    delta = jnp.float32(1e-3)
    big = jnp.float32(3.0e38)
    vs, ws, biases, ms = [], [], [], []
    for j in range(4):
        a = inp + mask_ref[...][j].reshape(_D, 1)
        vs.append(jnp.concatenate([a, -a], axis=0))
        ws.append(w_ref[...][j].reshape(_MD, 1))
        biases.append(bias_ref[...][j].reshape(1, 1))
        ms.append(jnp.max(vs[j], axis=0, keepdims=True))

    def body(_, carry):
        new = []
        for j, (lo, hi) in enumerate(zip(carry[::2], carry[1::2])):
            mid = 0.5 * (lo + hi)
            f = jnp.sum(jnp.where(vs[j] >= mid, ws[j], 0.0),
                        axis=0, keepdims=True)
            pred = f <= biases[j]
            new += [jnp.where(pred, lo, mid), jnp.where(pred, mid, hi)]
        return tuple(new)

    init = []
    for j in range(4):
        init += [-ms[j] - delta, ms[j] + delta]
    fin = jax.lax.fori_loop(0, _ITERS, body, tuple(init))
    rs = []
    for j in range(4):
        hi = fin[2 * j + 1]
        r = jnp.min(jnp.where(vs[j] >= hi, vs[j], big), axis=0, keepdims=True)
        rs.append(jnp.where(r > jnp.float32(1e38), ms[j], r))
    out_ref[...] = jnp.concatenate(rs, axis=0).reshape(4, 1, _TC_ROWS)


def _wos_tc(inp_t, mask, weight, bias):
    mask_r = mask.reshape(_NC, _D, 1)
    weight_r = weight.reshape(_NC, _MD, 1)
    bias_r = bias.reshape(_NC, 1, 1)
    out = pl.pallas_call(
        _wos_block,
        grid=(_NC // 4,),
        in_specs=[
            pl.BlockSpec((_D, _TC_ROWS), lambda nc: (0, 0)),
            pl.BlockSpec((4, _D, 1), lambda nc: (nc, 0, 0)),
            pl.BlockSpec((4, _MD, 1), lambda nc: (nc, 0, 0)),
            pl.BlockSpec((4, 1, 1), lambda nc: (nc, 0, 0)),
        ],
        out_specs=pl.BlockSpec((4, 1, _TC_ROWS), lambda nc: (nc, 0, 0)),
        out_shape=jax.ShapeDtypeStruct((_NC, 1, _TC_ROWS), jnp.float32),
        compiler_params=pltpu.CompilerParams(
            dimension_semantics=("arbitrary",),
        ),
    )(inp_t, mask_r, weight_r, bias_r)
    return out.reshape(_NC, _TC_ROWS)


def _wos_sc_body(inp_hbm, mask_hbm, w_hbm, bias_hbm, out_hbm,
                 inp_l, mask_l, w_l, a_l, bias_l, r_l):
    core = jax.lax.axis_index("c")
    sub = jax.lax.axis_index("s")
    unit = core * 16 + sub
    pltpu.sync_copy(inp_hbm.at[unit], inp_l)
    pltpu.sync_copy(bias_hbm, bias_l)
    zero = jnp.zeros((_LANES,), jnp.float32)
    big = jnp.full((_LANES,), 3.0e38, jnp.float32)

    @pl.loop(0, _NC)
    def _nc_loop(nc):
        pltpu.sync_copy(mask_hbm.at[nc], mask_l)
        pltpu.sync_copy(w_hbm.at[nc], w_l)

        @pl.loop(0, _D)
        def _build(d):
            a_l[d] = inp_l[d] + mask_l[d]

        def mbody(d, mcur):
            return jnp.maximum(mcur, jnp.abs(a_l[d]))
        m = jax.lax.fori_loop(0, _D, mbody, zero, unroll=8)
        delta = jnp.float32(1e-3)
        lo0 = -m - delta
        hi0 = m + delta
        bias_v = bias_l[nc]

        def bis(_, carry):
            lo, hi = carry
            mid = 0.5 * (lo + hi)
            nmid = -mid

            def fbody(d, acc):
                ad = a_l[d]
                acc = acc + jnp.where(ad >= mid, w_l[d], zero)
                return acc + jnp.where(ad <= nmid, w_l[_D + d], zero)
            f = jax.lax.fori_loop(0, _D, fbody, zero, unroll=16)
            pred = f <= bias_v
            return jnp.where(pred, lo, mid), jnp.where(pred, mid, hi)

        lo, hi = jax.lax.fori_loop(0, _ITERS, bis, (lo0, hi0))

        def rbody(d, rcur):
            ad = a_l[d]
            rcur = jnp.minimum(rcur, jnp.where(ad >= hi, ad, big))
            return jnp.minimum(rcur, jnp.where(-ad >= hi, -ad, big))
        r = jax.lax.fori_loop(0, _D, rbody, big, unroll=8)
        r = jnp.where(r > jnp.float32(1e38), m, r)
        r_l[nc] = r

    pltpu.sync_copy(r_l, out_hbm.at[unit])


def _wos_sc(inp_sc, mask, weight, bias):
    units = _SC_ROWS // _LANES
    inp_u = inp_sc.reshape(_D, units, _LANES).transpose(1, 0, 2)
    mask_rep = jnp.broadcast_to(mask[:, :, None], (_NC, _D, _LANES))
    w_rep = jnp.broadcast_to(weight[:, :, None], (_NC, _MD, _LANES))
    bias_rep = jnp.broadcast_to(bias.reshape(_NC, 1), (_NC, _LANES))
    mesh = plsc.VectorSubcoreMesh(core_axis_name="c", subcore_axis_name="s")
    run = pl.kernel(
        _wos_sc_body,
        out_type=jax.ShapeDtypeStruct((units, _NC, _LANES), jnp.float32),
        mesh=mesh,
        scratch_types=[
            pltpu.VMEM((_D, _LANES), jnp.float32),
            pltpu.VMEM((_D, _LANES), jnp.float32),
            pltpu.VMEM((_MD, _LANES), jnp.float32),
            pltpu.VMEM((_D, _LANES), jnp.float32),
            pltpu.VMEM((_NC, _LANES), jnp.float32),
            pltpu.VMEM((_NC, _LANES), jnp.float32),
        ],
    )
    out_u = run(inp_u, mask_rep, w_rep, bias_rep)
    return out_u.transpose(1, 0, 2).reshape(_NC, _SC_ROWS)


def kernel(x, mask, weight, bias):
    inp_t = _unfold_cols(x)
    y_tc = _wos_tc(inp_t[:, :_TC_ROWS], mask, weight, bias)
    y_sc = _wos_sc(inp_t[:, _TC_ROWS:], mask, weight, bias)
    y = jnp.concatenate([y_tc, y_sc], axis=1)
    return y.T.reshape(-1, _NC, _H, _W)

# --- scband reference (transcript-rebuilt; emitter-appended) ---
"""Pipeline reference for scband-wos-55576876810250 (READ-ONLY COPY).

The authoritative reference and input builder live on the scoring server;
editing this copy changes nothing except your own understanding.
"""

import jax, jax.numpy as jnp
import numpy as np

B, C, H, W = 4, 16, 32, 32
K = 3
NC = 32
D = C * K * K        # 144
MD = 2 * D           # 288


def setup_inputs(seed: int = 0) -> dict:
    key = jax.random.key(seed)
    k1, k2, k3, k4 = jax.random.split(key, 4)
    x = jax.random.normal(k1, (B, C, H, W), dtype=jnp.float32)
    # learned params of WOS(in_channels=16, out_channels=32, kernel_size=3)
    weight = jax.random.uniform(k2, (NC, MD), minval=0.5, maxval=1.5).astype(jnp.float32)
    bias = (D + 0.5 + 5.0 * jax.random.normal(k3, (NC, 1))).astype(jnp.float32)
    mask = (0.05 * jax.random.normal(k4, (NC, D))).astype(jnp.float32)
    return {"x": x, "mask": mask, "weight": weight, "bias": bias}


def _unfold_padded(x):
    # fixed_padding(kernel=3, dilation=1): pad 1 on each side, then Unfold(k=3, stride=1)
    pad_total = K - 1
    pb = pad_total // 2
    pe = pad_total - pb
    xp = jnp.pad(x, ((0, 0), (0, 0), (pb, pe), (pb, pe)))
    Hout = xp.shape[2] - K + 1
    Wout = xp.shape[3] - K + 1
    # torch Unfold channel ordering: (c, kh, kw) with c slowest
    patches = jnp.stack([xp[:, :, i:i + Hout, j:j + Wout]
                         for i in range(K) for j in range(K)], axis=2)  # (B,C,K*K,Hout,Wout)
    u = patches.reshape(x.shape[0], C * K * K, Hout * Wout)  # (B, D, L)
    return u


def reference(x, mask, weight, bias):
    u = _unfold_padded(x)                  # (B, D, L)
    L = u.shape[-1]
    Ls = int(np.sqrt(L))
    # permute/reshape chain from WOS.forward -> (N, 1, D), N = B*L
    inp = jnp.transpose(u, (0, 2, 1)).reshape(-1, 1, D)
    # OHMWosFunction.forward
    x2 = mask[None, :, :] + inp            # (N, NC, D)
    mx = jnp.concatenate([x2, -x2], axis=2)  # (N, NC, MD)
    si = jnp.argsort(-mx, axis=2)          # descending sort indices
    smx = jnp.take_along_axis(mx, si, axis=2)
    allw = jnp.broadcast_to(weight[None, :, :], si.shape)
    sw = jnp.take_along_axis(allw, si, axis=2)
    accw = jnp.cumsum(sw, axis=2)
    li = jnp.sum((accw <= bias[None, :, :]).astype(jnp.int32), axis=2) - 1  # (N, NC)
    li = jnp.clip(li, 0, MD - 1)
    y = jnp.take_along_axis(smx, li[:, :, None], axis=2)[:, :, 0]  # (N, NC)
    # result.view(-1, NC, Ls, Ls) -- row-major reinterpretation, replicated faithfully
    return y.reshape(-1, NC, Ls, Ls)

if __name__ == "__main__":
    import jax
    _d = setup_inputs()
    print(jax.jit(kernel)(*tuple(_d.values())))

</pallas_src>

<mosaic_0001>
#map = affine_map<(d0, d1) -> (0, 0, 0)>
#map1 = affine_map<(d0, d1) -> (0, 0)>
module attributes {stable_mosaic.version = 14 : i64} {
  func.func @_wos_sc_body(%arg0: i32, %arg1: i32, %arg2: memref<32x144x16xf32, #tpu.memory_space<hbm>>, %arg3: memref<32x144x16xf32, #tpu.memory_space<hbm>>, %arg4: memref<32x288x16xf32, #tpu.memory_space<hbm>>, %arg5: memref<32x16xf32, #tpu.memory_space<hbm>>, %arg6: memref<32x32x16xf32, #tpu.memory_space<hbm>>, %arg7: memref<144x16xf32, #tpu.memory_space<vmem>>, %arg8: memref<144x16xf32, #tpu.memory_space<vmem>>, %arg9: memref<288x16xf32, #tpu.memory_space<vmem>>, %arg10: memref<144x16xf32, #tpu.memory_space<vmem>>, %arg11: memref<32x16xf32, #tpu.memory_space<vmem>>, %arg12: memref<32x16xf32, #tpu.memory_space<vmem>>) attributes {dimension_semantics = [#tpu.dimension_semantics<core_parallel>, #tpu.dimension_semantics<subcore_parallel>], iteration_bounds = array<i64: 2, 16>, scalar_prefetch = 0 : i64, scratch_operands = 6 : i64, tpu.core_type = #tpu.core_type<sc_vector_subcore>, window_params = [{transform_indices = #map}, {transform_indices = #map}, {transform_indices = #map}, {transform_indices = #map1}, {transform_indices = #map}]} {
    %mul3A = arith.constant 16 : i32
    %mul3A_0 = arith.muli %arg0, %mul3A : i32
    %add3A = arith.addi %mul3A_0, %arg1 : i32
    "tpu.region"() ({
      %run_scoped3A = tpu.sem_alloc : memref<!tpu.dma_semaphore, #tpu.memory_space<semaphore_mem>>
      %dma_start3A = arith.constant 0 : i32
      %dma_start3A_8 = arith.constant 0 : i32
      %dma_start3A_9 = tpu.memref_slice %arg2[%add3A, %dma_start3A, %dma_start3A_8] : memref<32x144x16xf32, #tpu.memory_space<hbm>> -> memref<1x144x16xf32, #tpu.memory_space<hbm>>
      %dma_start3A_10 = tpu.memref_squeeze %dma_start3A_9 : memref<1x144x16xf32, #tpu.memory_space<hbm>> -> memref<144x16xf32, #tpu.memory_space<hbm>>
      %dma_start3A_11 = arith.constant 0 : i32
      %dma_start3A_12 = arith.constant 0 : i32
      %dma_start3A_13 = tpu.memref_slice %arg2[%add3A, %dma_start3A_11, %dma_start3A_12] : memref<32x144x16xf32, #tpu.memory_space<hbm>> -> memref<1x144x16xf32, #tpu.memory_space<hbm>>
      %dma_start3A_14 = tpu.memref_squeeze %dma_start3A_13 : memref<1x144x16xf32, #tpu.memory_space<hbm>> -> memref<144x16xf32, #tpu.memory_space<hbm>>
      tpu.enqueue_dma source(%dma_start3A_14 : memref<144x16xf32, #tpu.memory_space<hbm>>) target(%arg7 : memref<144x16xf32, #tpu.memory_space<vmem>>) target_semaphore(%run_scoped3A : memref<!tpu.dma_semaphore, #tpu.memory_space<semaphore_mem>>)
      %dma_wait3A = arith.constant 0 : i32
      %dma_wait3A_15 = arith.constant 0 : i32
      %dma_wait3A_16 = tpu.memref_slice %arg2[%add3A, %dma_wait3A, %dma_wait3A_15] : memref<32x144x16xf32, #tpu.memory_space<hbm>> -> memref<1x144x16xf32, #tpu.memory_space<hbm>>
      %dma_wait3A_17 = tpu.memref_squeeze %dma_wait3A_16 : memref<1x144x16xf32, #tpu.memory_space<hbm>> -> memref<144x16xf32, #tpu.memory_space<hbm>>
      %dma_wait3A_18 = arith.constant 0 : i32
      %dma_wait3A_19 = arith.constant 0 : i32
      %dma_wait3A_20 = tpu.memref_slice %arg2[%add3A, %dma_wait3A_18, %dma_wait3A_19] : memref<32x144x16xf32, #tpu.memory_space<hbm>> -> memref<1x144x16xf32, #tpu.memory_space<hbm>>
      %dma_wait3A_21 = tpu.memref_squeeze %dma_wait3A_20 : memref<1x144x16xf32, #tpu.memory_space<hbm>> -> memref<144x16xf32, #tpu.memory_space<hbm>>
      tpu.wait_dma2 semaphore(%run_scoped3A : memref<!tpu.dma_semaphore, #tpu.memory_space<semaphore_mem>>) src(%dma_wait3A_21 : memref<144x16xf32, #tpu.memory_space<hbm>>) dst(%arg7 : memref<144x16xf32, #tpu.memory_space<vmem>>)
      tpu.yield
    }) : () -> ()
    "tpu.region"() ({
      %run_scoped3A = tpu.sem_alloc : memref<!tpu.dma_semaphore, #tpu.memory_space<semaphore_mem>>
      tpu.enqueue_dma source(%arg5 : memref<32x16xf32, #tpu.memory_space<hbm>>) target(%arg11 : memref<32x16xf32, #tpu.memory_space<vmem>>) target_semaphore(%run_scoped3A : memref<!tpu.dma_semaphore, #tpu.memory_space<semaphore_mem>>)
      tpu.wait_dma2 semaphore(%run_scoped3A : memref<!tpu.dma_semaphore, #tpu.memory_space<semaphore_mem>>) src(%arg5 : memref<32x16xf32, #tpu.memory_space<hbm>>) dst(%arg11 : memref<32x16xf32, #tpu.memory_space<vmem>>)
      tpu.yield
    }) : () -> ()
    %broadcast_in_dim3A = arith.constant 0.000000e+00 : f32
    %broadcast_in_dim3A_1 = vector.broadcast %broadcast_in_dim3A : f32 to vector<16xf32>
    %broadcast_in_dim3A_2 = arith.constant 3.000000e+38 : f32
    %broadcast_in_dim3A_3 = vector.broadcast %broadcast_in_dim3A_2 : f32 to vector<16xf32>
    %scan3A = arith.constant 0 : i32
    %scan3A_4 = arith.constant 32 : i32
    %scan3A_5 = arith.addi %scan3A, %scan3A_4 : i32
    %scan3A_6 = arith.constant 1 : i32
    scf.for %scan3A_8 = %scan3A to %scan3A_5 step %scan3A_6  : i32 {
      %mul3A_9 = arith.constant 1 : i32
      %mul3A_10 = arith.muli %scan3A_8, %mul3A_9 : i32
      %add3A_11 = arith.constant 0 : i32
      %add3A_12 = arith.addi %add3A_11, %mul3A_10 : i32
      "tpu.region"() ({
        %run_scoped3A = tpu.sem_alloc : memref<!tpu.dma_semaphore, #tpu.memory_space<semaphore_mem>>
        %dma_start3A = arith.constant 0 : i32
        %dma_start3A_52 = arith.constant 0 : i32
        %dma_start3A_53 = tpu.memref_slice %arg3[%add3A_12, %dma_start3A, %dma_start3A_52] : memref<32x144x16xf32, #tpu.memory_space<hbm>> -> memref<1x144x16xf32, #tpu.memory_space<hbm>>
        %dma_start3A_54 = tpu.memref_squeeze %dma_start3A_53 : memref<1x144x16xf32, #tpu.memory_space<hbm>> -> memref<144x16xf32, #tpu.memory_space<hbm>>
        %dma_start3A_55 = arith.constant 0 : i32
        %dma_start3A_56 = arith.constant 0 : i32
        %dma_start3A_57 = tpu.memref_slice %arg3[%add3A_12, %dma_start3A_55, %dma_start3A_56] : memref<32x144x16xf32, #tpu.memory_space<hbm>> -> memref<1x144x16xf32, #tpu.memory_space<hbm>>
        %dma_start3A_58 = tpu.memref_squeeze %dma_start3A_57 : memref<1x144x16xf32, #tpu.memory_space<hbm>> -> memref<144x16xf32, #tpu.memory_space<hbm>>
        tpu.enqueue_dma source(%dma_start3A_58 : memref<144x16xf32, #tpu.memory_space<hbm>>) target(%arg8 : memref<144x16xf32, #tpu.memory_space<vmem>>) target_semaphore(%run_scoped3A : memref<!tpu.dma_semaphore, #tpu.memory_space<semaphore_mem>>)
        %dma_wait3A = arith.constant 0 : i32
        %dma_wait3A_59 = arith.constant 0 : i32
        %dma_wait3A_60 = tpu.memref_slice %arg3[%add3A_12, %dma_wait3A, %dma_wait3A_59] : memref<32x144x16xf32, #tpu.memory_space<hbm>> -> memref<1x144x16xf32, #tpu.memory_space<hbm>>
        %dma_wait3A_61 = tpu.memref_squeeze %dma_wait3A_60 : memref<1x144x16xf32, #tpu.memory_space<hbm>> -> memref<144x16xf32, #tpu.memory_space<hbm>>
        %dma_wait3A_62 = arith.constant 0 : i32
        %dma_wait3A_63 = arith.constant 0 : i32
        %dma_wait3A_64 = tpu.memref_slice %arg3[%add3A_12, %dma_wait3A_62, %dma_wait3A_63] : memref<32x144x16xf32, #tpu.memory_space<hbm>> -> memref<1x144x16xf32, #tpu.memory_space<hbm>>
        %dma_wait3A_65 = tpu.memref_squeeze %dma_wait3A_64 : memref<1x144x16xf32, #tpu.memory_space<hbm>> -> memref<144x16xf32, #tpu.memory_space<hbm>>
        tpu.wait_dma2 semaphore(%run_scoped3A : memref<!tpu.dma_semaphore, #tpu.memory_space<semaphore_mem>>) src(%dma_wait3A_65 : memref<144x16xf32, #tpu.memory_space<hbm>>) dst(%arg8 : memref<144x16xf32, #tpu.memory_space<vmem>>)
        tpu.yield
      }) : () -> ()
      "tpu.region"() ({
        %run_scoped3A = tpu.sem_alloc : memref<!tpu.dma_semaphore, #tpu.memory_space<semaphore_mem>>
        %dma_start3A = arith.constant 0 : i32
        %dma_start3A_52 = arith.constant 0 : i32
        %dma_start3A_53 = tpu.memref_slice %arg4[%add3A_12, %dma_start3A, %dma_start3A_52] : memref<32x288x16xf32, #tpu.memory_space<hbm>> -> memref<1x288x16xf32, #tpu.memory_space<hbm>>
        %dma_start3A_54 = tpu.memref_squeeze %dma_start3A_53 : memref<1x288x16xf32, #tpu.memory_space<hbm>> -> memref<288x16xf32, #tpu.memory_space<hbm>>
        %dma_start3A_55 = arith.constant 0 : i32
        %dma_start3A_56 = arith.constant 0 : i32
        %dma_start3A_57 = tpu.memref_slice %arg4[%add3A_12, %dma_start3A_55, %dma_start3A_56] : memref<32x288x16xf32, #tpu.memory_space<hbm>> -> memref<1x288x16xf32, #tpu.memory_space<hbm>>
        %dma_start3A_58 = tpu.memref_squeeze %dma_start3A_57 : memref<1x288x16xf32, #tpu.memory_space<hbm>> -> memref<288x16xf32, #tpu.memory_space<hbm>>
        tpu.enqueue_dma source(%dma_start3A_58 : memref<288x16xf32, #tpu.memory_space<hbm>>) target(%arg9 : memref<288x16xf32, #tpu.memory_space<vmem>>) target_semaphore(%run_scoped3A : memref<!tpu.dma_semaphore, #tpu.memory_space<semaphore_mem>>)
        %dma_wait3A = arith.constant 0 : i32
        %dma_wait3A_59 = arith.constant 0 : i32
        %dma_wait3A_60 = tpu.memref_slice %arg4[%add3A_12, %dma_wait3A, %dma_wait3A_59] : memref<32x288x16xf32, #tpu.memory_space<hbm>> -> memref<1x288x16xf32, #tpu.memory_space<hbm>>
        %dma_wait3A_61 = tpu.memref_squeeze %dma_wait3A_60 : memref<1x288x16xf32, #tpu.memory_space<hbm>> -> memref<288x16xf32, #tpu.memory_space<hbm>>
        %dma_wait3A_62 = arith.constant 0 : i32
        %dma_wait3A_63 = arith.constant 0 : i32
        %dma_wait3A_64 = tpu.memref_slice %arg4[%add3A_12, %dma_wait3A_62, %dma_wait3A_63] : memref<32x288x16xf32, #tpu.memory_space<hbm>> -> memref<1x288x16xf32, #tpu.memory_space<hbm>>
        %dma_wait3A_65 = tpu.memref_squeeze %dma_wait3A_64 : memref<1x288x16xf32, #tpu.memory_space<hbm>> -> memref<288x16xf32, #tpu.memory_space<hbm>>
        tpu.wait_dma2 semaphore(%run_scoped3A : memref<!tpu.dma_semaphore, #tpu.memory_space<semaphore_mem>>) src(%dma_wait3A_65 : memref<288x16xf32, #tpu.memory_space<hbm>>) dst(%arg9 : memref<288x16xf32, #tpu.memory_space<vmem>>)
        tpu.yield
      }) : () -> ()
      %scan3A_13 = arith.constant 0 : i32
      %scan3A_14 = arith.constant 144 : i32
      %scan3A_15 = arith.addi %scan3A_13, %scan3A_14 : i32
      %scan3A_16 = arith.constant 1 : i32
      scf.for %scan3A_52 = %scan3A_13 to %scan3A_15 step %scan3A_16  : i32 {
        %mul3A_53 = arith.constant 1 : i32
        %mul3A_54 = arith.muli %scan3A_52, %mul3A_53 : i32
        %add3A_55 = arith.constant 0 : i32
        %add3A_56 = arith.addi %add3A_55, %mul3A_54 : i32
        %get3A_57 = arith.index_cast %add3A_56 : i32 to index
        %get3A_58 = arith.constant 0 : index
        %get3A_59 = tpu.vector_load %arg7[%get3A_57, %get3A_58] {strides = array<i32>} : memref<144x16xf32, #tpu.memory_space<vmem>>, vector<1x16xf32>,
        %get3A_60 = vector.shape_cast %get3A_59 : vector<1x16xf32> to vector<16xf32>
        %get3A_61 = arith.index_cast %add3A_56 : i32 to index
        %get3A_62 = arith.constant 0 : index
        %get3A_63 = tpu.vector_load %arg8[%get3A_61, %get3A_62] {strides = array<i32>} : memref<144x16xf32, #tpu.memory_space<vmem>>, vector<1x16xf32>,
        %get3A_64 = vector.shape_cast %get3A_63 : vector<1x16xf32> to vector<16xf32>
        %add3A_65 = arith.addf %get3A_60, %get3A_64 : vector<16xf32>
        %swap3A_66 = arith.index_cast %add3A_56 : i32 to index
        %swap3A_67 = arith.constant 0 : index
        %swap3A_68 = tpu.vector_load %arg10[%swap3A_66, %swap3A_67] {strides = array<i32>} : memref<144x16xf32, #tpu.memory_space<vmem>>, vector<1x16xf32>,
        %swap3A_69 = vector.shape_cast %swap3A_68 : vector<1x16xf32> to vector<16xf32>
        %swap3A_70 = vector.shape_cast %add3A_65 : vector<16xf32> to vector<1x16xf32>
        tpu.vector_store %arg10[%swap3A_66, %swap3A_67], %swap3A_70 {strides = array<i32>} : memref<144x16xf32, #tpu.memory_space<vmem>>, vector<1x16xf32>,
      }
      %scan3A_17 = arith.constant 144 : i32
      %scan3A_18 = arith.constant 0 : i32
      %scan3A_19 = arith.constant 144 : i32
      %scan3A_20 = arith.addi %scan3A_18, %scan3A_19 : i32
      %scan3A_21 = arith.constant 8 : i32
      %scan3A_22 = scf.for %scan3A_52 = %scan3A_18 to %scan3A_20 step %scan3A_21 iter_args(%scan3A_53 = %broadcast_in_dim3A_1) -> (vector<16xf32>)  : i32 {
        %get3A_54 = arith.index_cast %scan3A_52 : i32 to index
        %get3A_55 = arith.constant 0 : index
        %get3A_56 = tpu.vector_load %arg10[%get3A_54, %get3A_55] {strides = array<i32>} : memref<144x16xf32, #tpu.memory_space<vmem>>, vector<1x16xf32>,
        %get3A_57 = vector.shape_cast %get3A_56 : vector<1x16xf32> to vector<16xf32>
        %abs3A = math.absf %get3A_57 : vector<16xf32>
        %max3A = arith.maximumf %scan3A_53, %abs3A : vector<16xf32>
        %scan3A_58 = arith.constant 1 : i32
        %scan3A_59 = arith.addi %scan3A_52, %scan3A_58 : i32
        %get3A_60 = arith.index_cast %scan3A_59 : i32 to index
        %get3A_61 = arith.constant 0 : index
        %get3A_62 = tpu.vector_load %arg10[%get3A_60, %get3A_61] {strides = array<i32>} : memref<144x16xf32, #tpu.memory_space<vmem>>, vector<1x16xf32>,
        %get3A_63 = vector.shape_cast %get3A_62 : vector<1x16xf32> to vector<16xf32>
        %abs3A_64 = math.absf %get3A_63 : vector<16xf32>
        %max3A_65 = arith.maximumf %max3A, %abs3A_64 : vector<16xf32>
        %scan3A_66 = arith.constant 2 : i32
        %scan3A_67 = arith.addi %scan3A_52, %scan3A_66 : i32
        %get3A_68 = arith.index_cast %scan3A_67 : i32 to index
        %get3A_69 = arith.constant 0 : index
        %get3A_70 = tpu.vector_load %arg10[%get3A_68, %get3A_69] {strides = array<i32>} : memref<144x16xf32, #tpu.memory_space<vmem>>, vector<1x16xf32>,
        %get3A_71 = vector.shape_cast %get3A_70 : vector<1x16xf32> to vector<16xf32>
        %abs3A_72 = math.absf %get3A_71 : vector<16xf32>
        %max3A_73 = arith.maximumf %max3A_65, %abs3A_72 : vector<16xf32>
        %scan3A_74 = arith.constant 3 : i32
        %scan3A_75 = arith.addi %scan3A_52, %scan3A_74 : i32
        %get3A_76 = arith.index_cast %scan3A_75 : i32 to index
        %get3A_77 = arith.constant 0 : index
        %get3A_78 = tpu.vector_load %arg10[%get3A_76, %get3A_77] {strides = array<i32>} : memref<144x16xf32, #tpu.memory_space<vmem>>, vector<1x16xf32>,
        %get3A_79 = vector.shape_cast %get3A_78 : vector<1x16xf32> to vector<16xf32>
        %abs3A_80 = math.absf %get3A_79 : vector<16xf32>
        %max3A_81 = arith.maximumf %max3A_73, %abs3A_80 : vector<16xf32>
        %scan3A_82 = arith.constant 4 : i32
        %scan3A_83 = arith.addi %scan3A_52, %scan3A_82 : i32
        %get3A_84 = arith.index_cast %scan3A_83 : i32 to index
        %get3A_85 = arith.constant 0 : index
        %get3A_86 = tpu.vector_load %arg10[%get3A_84, %get3A_85] {strides = array<i32>} : memref<144x16xf32, #tpu.memory_space<vmem>>, vector<1x16xf32>,
        %get3A_87 = vector.shape_cast %get3A_86 : vector<1x16xf32> to vector<16xf32>
        %abs3A_88 = math.absf %get3A_87 : vector<16xf32>
        %max3A_89 = arith.maximumf %max3A_81, %abs3A_88 : vector<16xf32>
        %scan3A_90 = arith.constant 5 : i32
        %scan3A_91 = arith.addi %scan3A_52, %scan3A_90 : i32
        %get3A_92 = arith.index_cast %scan3A_91 : i32 to index
        %get3A_93 = arith.constant 0 : index
        %get3A_94 = tpu.vector_load %arg10[%get3A_92, %get3A_93] {strides = array<i32>} : memref<144x16xf32, #tpu.memory_space<vmem>>, vector<1x16xf32>,
        %get3A_95 = vector.shape_cast %get3A_94 : vector<1x16xf32> to vector<16xf32>
        %abs3A_96 = math.absf %get3A_95 : vector<16xf32>
        %max3A_97 = arith.maximumf %max3A_89, %abs3A_96 : vector<16xf32>
        %scan3A_98 = arith.constant 6 : i32
        %scan3A_99 = arith.addi %scan3A_52, %scan3A_98 : i32
        %get3A_100 = arith.index_cast %scan3A_99 : i32 to index
        %get3A_101 = arith.constant 0 : index
        %get3A_102 = tpu.vector_load %arg10[%get3A_100, %get3A_101] {strides = array<i32>} : memref<144x16xf32, #tpu.memory_space<vmem>>, vector<1x16xf32>,
        %get3A_103 = vector.shape_cast %get3A_102 : vector<1x16xf32> to vector<16xf32>
        %abs3A_104 = math.absf %get3A_103 : vector<16xf32>
        %max3A_105 = arith.maximumf %max3A_97, %abs3A_104 : vector<16xf32>
        %scan3A_106 = arith.constant 7 : i32
        %scan3A_107 = arith.addi %scan3A_52, %scan3A_106 : i32
        %get3A_108 = arith.index_cast %scan3A_107 : i32 to index
        %get3A_109 = arith.constant 0 : index
        %get3A_110 = tpu.vector_load %arg10[%get3A_108, %get3A_109] {strides = array<i32>} : memref<144x16xf32, #tpu.memory_space<vmem>>, vector<1x16xf32>,
        %get3A_111 = vector.shape_cast %get3A_110 : vector<1x16xf32> to vector<16xf32>
        %abs3A_112 = math.absf %get3A_111 : vector<16xf32>
        %max3A_113 = arith.maximumf %max3A_105, %abs3A_112 : vector<16xf32>
        scf.yield %max3A_113 : vector<16xf32>
      }
      %scan3A_23 = arith.constant 144 : i32
      %neg3A = arith.constant 0.000000e+00 : f32
      %neg3A_24 = vector.broadcast %neg3A : f32 to vector<16xf32>
      %neg3A_25 = arith.subf %neg3A_24, %scan3A_22 : vector<16xf32>
      %sub3A = arith.constant 1.000000e-03 : f32
      %sub3A_26 = vector.broadcast %sub3A : f32 to vector<16xf32>
      %sub3A_27 = arith.subf %neg3A_25, %sub3A_26 : vector<16xf32>
      %add3A_28 = arith.constant 1.000000e-03 : f32
      %add3A_29 = vector.broadcast %add3A_28 : f32 to vector<16xf32>
      %add3A_30 = arith.addf %scan3A_22, %add3A_29 : vector<16xf32>
      %get3A = arith.index_cast %add3A_12 : i32 to index
      %get3A_31 = arith.constant 0 : index
      %get3A_32 = tpu.vector_load %arg11[%get3A, %get3A_31] {strides = array<i32>} : memref<32x16xf32, #tpu.memory_space<vmem>>, vector<1x16xf32>,
      %get3A_33 = vector.shape_cast %get3A_32 : vector<1x16xf32> to vector<16xf32>
      %scan3A_34 = arith.constant 0 : i32
      %scan3A_35 = arith.constant 26 : i32
      %scan3A_36 = arith.addi %scan3A_34, %scan3A_35 : i32
      %scan3A_37 = arith.constant 1 : i32
      %scan3A_38:2 = scf.for %scan3A_52 = %scan3A_34 to %scan3A_36 step %scan3A_37 iter_args(%scan3A_53 = %sub3A_27, %scan3A_54 = %add3A_30) -> (vector<16xf32>, vector<16xf32>)  : i32 {
        %add3A_55 = arith.addf %scan3A_53, %scan3A_54 : vector<16xf32>
        %mul3A_56 = arith.constant 5.000000e-01 : f32
        %mul3A_57 = vector.broadcast %mul3A_56 : f32 to vector<16xf32>
        %mul3A_58 = arith.mulf %mul3A_57, %add3A_55 : vector<16xf32>
        %neg3A_59 = arith.constant 0.000000e+00 : f32
        %neg3A_60 = vector.broadcast %neg3A_59 : f32 to vector<16xf32>
        %neg3A_61 = arith.subf %neg3A_60, %mul3A_58 : vector<16xf32>
        %scan3A_62 = arith.constant 0 : i32
        %scan3A_63 = arith.constant 144 : i32
        %scan3A_64 = arith.addi %scan3A_62, %scan3A_63 : i32
        %scan3A_65 = arith.constant 16 : i32
        %scan3A_66 = scf.for %scan3A_70 = %scan3A_62 to %scan3A_64 step %scan3A_65 iter_args(%scan3A_71 = %broadcast_in_dim3A_1) -> (vector<16xf32>)  : i32 {
          %get3A_72 = arith.index_cast %scan3A_70 : i32 to index
          %get3A_73 = arith.constant 0 : index
          %get3A_74 = tpu.vector_load %arg10[%get3A_72, %get3A_73] {strides = array<i32>} : memref<144x16xf32, #tpu.memory_space<vmem>>, vector<1x16xf32>,
          %get3A_75 = vector.shape_cast %get3A_74 : vector<1x16xf32> to vector<16xf32>
          %ge3A = arith.cmpf oge, %get3A_75, %mul3A_58 : vector<16xf32>
          %get3A_76 = arith.index_cast %scan3A_70 : i32 to index
          %get3A_77 = arith.constant 0 : index
          %get3A_78 = tpu.vector_load %arg9[%get3A_76, %get3A_77] {strides = array<i32>} : memref<288x16xf32, #tpu.memory_space<vmem>>, vector<1x16xf32>,
          %get3A_79 = vector.shape_cast %get3A_78 : vector<1x16xf32> to vector<16xf32>
          %select_n3A_80 = arith.select %ge3A, %get3A_79, %broadcast_in_dim3A_1 : vector<16xi1>, vector<16xf32>
          %add3A_81 = arith.addf %scan3A_71, %select_n3A_80 : vector<16xf32>
          %le3A_82 = arith.cmpf ole, %get3A_75, %neg3A_61 : vector<16xf32>
          %add3A_83 = arith.constant 144 : i32
          %add3A_84 = arith.addi %add3A_83, %scan3A_70 : i32
          %get3A_85 = arith.index_cast %add3A_84 : i32 to index
          %get3A_86 = arith.constant 0 : index
          %get3A_87 = tpu.vector_load %arg9[%get3A_85, %get3A_86] {strides = array<i32>} : memref<288x16xf32, #tpu.memory_space<vmem>>, vector<1x16xf32>,
          %get3A_88 = vector.shape_cast %get3A_87 : vector<1x16xf32> to vector<16xf32>
          %select_n3A_89 = arith.select %le3A_82, %get3A_88, %broadcast_in_dim3A_1 : vector<16xi1>, vector<16xf32>
          %add3A_90 = arith.addf %add3A_81, %select_n3A_89 : vector<16xf32>
          %scan3A_91 = arith.constant 1 : i32
          %scan3A_92 = arith.addi %scan3A_70, %scan3A_91 : i32
          %get3A_93 = arith.index_cast %scan3A_92 : i32 to index
          %get3A_94 = arith.constant 0 : index
          %get3A_95 = tpu.vector_load %arg10[%get3A_93, %get3A_94] {strides = array<i32>} : memref<144x16xf32, #tpu.memory_space<vmem>>, vector<1x16xf32>,
          %get3A_96 = vector.shape_cast %get3A_95 : vector<1x16xf32> to vector<16xf32>
          %ge3A_97 = arith.cmpf oge, %get3A_96, %mul3A_58 : vector<16xf32>
          %get3A_98 = arith.index_cast %scan3A_92 : i32 to index
          %get3A_99 = arith.constant 0 : index
          %get3A_100 = tpu.vector_load %arg9[%get3A_98, %get3A_99] {strides = array<i32>} : memref<288x16xf32, #tpu.memory_space<vmem>>, vector<1x16xf32>,
          %get3A_101 = vector.shape_cast %get3A_100 : vector<1x16xf32> to vector<16xf32>
          %select_n3A_102 = arith.select %ge3A_97, %get3A_101, %broadcast_in_dim3A_1 : vector<16xi1>, vector<16xf32>
          %add3A_103 = arith.addf %add3A_90, %select_n3A_102 : vector<16xf32>
          %le3A_104 = arith.cmpf ole, %get3A_96, %neg3A_61 : vector<16xf32>
          %add3A_105 = arith.constant 144 : i32
          %add3A_106 = arith.addi %add3A_105, %scan3A_92 : i32
          %get3A_107 = arith.index_cast %add3A_106 : i32 to index
          %get3A_108 = arith.constant 0 : index
          %get3A_109 = tpu.vector_load %arg9[%get3A_107, %get3A_108] {strides = array<i32>} : memref<288x16xf32, #tpu.memory_space<vmem>>, vector<1x16xf32>,
          %get3A_110 = vector.shape_cast %get3A_109 : vector<1x16xf32> to vector<16xf32>
          %select_n3A_111 = arith.select %le3A_104, %get3A_110, %broadcast_in_dim3A_1 : vector<16xi1>, vector<16xf32>
          %add3A_112 = arith.addf %add3A_103, %select_n3A_111 : vector<16xf32>
          %scan3A_113 = arith.constant 2 : i32
          %scan3A_114 = arith.addi %scan3A_70, %scan3A_113 : i32
          %get3A_115 = arith.index_cast %scan3A_114 : i32 to index
          %get3A_116 = arith.constant 0 : index
          %get3A_117 = tpu.vector_load %arg10[%get3A_115, %get3A_116] {strides = array<i32>} : memref<144x16xf32, #tpu.memory_space<vmem>>, vector<1x16xf32>,
          %get3A_118 = vector.shape_cast %get3A_117 : vector<1x16xf32> to vector<16xf32>
          %ge3A_119 = arith.cmpf oge, %get3A_118, %mul3A_58 : vector<16xf32>
          %get3A_120 = arith.index_cast %scan3A_114 : i32 to index
          %get3A_121 = arith.constant 0 : index
          %get3A_122 = tpu.vector_load %arg9[%get3A_120, %get3A_121] {strides = array<i32>} : memref<288x16xf32, #tpu.memory_space<vmem>>, vector<1x16xf32>,
          %get3A_123 = vector.shape_cast %get3A_122 : vector<1x16xf32> to vector<16xf32>
          %select_n3A_124 = arith.select %ge3A_119, %get3A_123, %broadcast_in_dim3A_1 : vector<16xi1>, vector<16xf32>
          %add3A_125 = arith.addf %add3A_112, %select_n3A_124 : vector<16xf32>
          %le3A_126 = arith.cmpf ole, %get3A_118, %neg3A_61 : vector<16xf32>
          %add3A_127 = arith.constant 144 : i32
          %add3A_128 = arith.addi %add3A_127, %scan3A_114 : i32
          %get3A_129 = arith.index_cast %add3A_128 : i32 to index
          %get3A_130 = arith.constant 0 : index
          %get3A_131 = tpu.vector_load %arg9[%get3A_129, %get3A_130] {strides = array<i32>} : memref<288x16xf32, #tpu.memory_space<vmem>>, vector<1x16xf32>,
          %get3A_132 = vector.shape_cast %get3A_131 : vector<1x16xf32> to vector<16xf32>
          %select_n3A_133 = arith.select %le3A_126, %get3A_132, %broadcast_in_dim3A_1 : vector<16xi1>, vector<16xf32>
          %add3A_134 = arith.addf %add3A_125, %select_n3A_133 : vector<16xf32>
          %scan3A_135 = arith.constant 3 : i32
          %scan3A_136 = arith.addi %scan3A_70, %scan3A_135 : i32
          %get3A_137 = arith.index_cast %scan3A_136 : i32 to index
          %get3A_138 = arith.constant 0 : index
          %get3A_139 = tpu.vector_load %arg10[%get3A_137, %get3A_138] {strides = array<i32>} : memref<144x16xf32, #tpu.memory_space<vmem>>, vector<1x16xf32>,
          %get3A_140 = vector.shape_cast %get3A_139 : vector<1x16xf32> to vector<16xf32>
          %ge3A_141 = arith.cmpf oge, %get3A_140, %mul3A_58 : vector<16xf32>
          %get3A_142 = arith.index_cast %scan3A_136 : i32 to index
          %get3A_143 = arith.constant 0 : index
          %get3A_144 = tpu.vector_load %arg9[%get3A_142, %get3A_143] {strides = array<i32>} : memref<288x16xf32, #tpu.memory_space<vmem>>, vector<1x16xf32>,
          %get3A_145 = vector.shape_cast %get3A_144 : vector<1x16xf32> to vector<16xf32>
          %select_n3A_146 = arith.select %ge3A_141, %get3A_145, %broadcast_in_dim3A_1 : vector<16xi1>, vector<16xf32>
          %add3A_147 = arith.addf %add3A_134, %select_n3A_146 : vector<16xf32>
          %le3A_148 = arith.cmpf ole, %get3A_140, %neg3A_61 : vector<16xf32>
          %add3A_149 = arith.constant 144 : i32
          %add3A_150 = arith.addi %add3A_149, %scan3A_136 : i32
          %get3A_151 = arith.index_cast %add3A_150 : i32 to index
          %get3A_152 = arith.constant 0 : index
          %get3A_153 = tpu.vector_load %arg9[%get3A_151, %get3A_152] {strides = array<i32>} : memref<288x16xf32, #tpu.memory_space<vmem>>, vector<1x16xf32>,
          %get3A_154 = vector.shape_cast %get3A_153 : vector<1x16xf32> to vector<16xf32>
          %select_n3A_155 = arith.select %le3A_148, %get3A_154, %broadcast_in_dim3A_1 : vector<16xi1>, vector<16xf32>
          %add3A_156 = arith.addf %add3A_147, %select_n3A_155 : vector<16xf32>
          %scan3A_157 = arith.constant 4 : i32
          %scan3A_158 = arith.addi %scan3A_70, %scan3A_157 : i32
          %get3A_159 = arith.index_cast %scan3A_158 : i32 to index
          %get3A_160 = arith.constant 0 : index
          %get3A_161 = tpu.vector_load %arg10[%get3A_159, %get3A_160] {strides = array<i32>} : memref<144x16xf32, #tpu.memory_space<vmem>>, vector<1x16xf32>,
          %get3A_162 = vector.shape_cast %get3A_161 : vector<1x16xf32> to vector<16xf32>
          %ge3A_163 = arith.cmpf oge, %get3A_162, %mul3A_58 : vector<16xf32>
          %get3A_164 = arith.index_cast %scan3A_158 : i32 to index
          %get3A_165 = arith.constant 0 : index
          %get3A_166 = tpu.vector_load %arg9[%get3A_164, %get3A_165] {strides = array<i32>} : memref<288x16xf32, #tpu.memory_space<vmem>>, vector<1x16xf32>,
          %get3A_167 = vector.shape_cast %get3A_166 : vector<1x16xf32> to vector<16xf32>
          %select_n3A_168 = arith.select %ge3A_163, %get3A_167, %broadcast_in_dim3A_1 : vector<16xi1>, vector<16xf32>
          %add3A_169 = arith.addf %add3A_156, %select_n3A_168 : vector<16xf32>
          %le3A_170 = arith.cmpf ole, %get3A_162, %neg3A_61 : vector<16xf32>
          %add3A_171 = arith.constant 144 : i32
          %add3A_172 = arith.addi %add3A_171, %scan3A_158 : i32
          %get3A_173 = arith.index_cast %add3A_172 : i32 to index
          %get3A_174 = arith.constant 0 : index
          %get3A_175 = tpu.vector_load %arg9[%get3A_173, %get3A_174] {strides = array<i32>} : memref<288x16xf32, #tpu.memory_space<vmem>>, vector<1x16xf32>,
          %get3A_176 = vector.shape_cast %get3A_175 : vector<1x16xf32> to vector<16xf32>
          %select_n3A_177 = arith.select %le3A_170, %get3A_176, %broadcast_in_dim3A_1 : vector<16xi1>, vector<16xf32>
          %add3A_178 = arith.addf %add3A_169, %select_n3A_177 : vector<16xf32>
          %scan3A_179 = arith.constant 5 : i32
          %scan3A_180 = arith.addi %scan3A_70, %scan3A_179 : i32
          %get3A_181 = arith.index_cast %scan3A_180 : i32 to index
          %get3A_182 = arith.constant 0 : index
          %get3A_183 = tpu.vector_load %arg10[%get3A_181, %get3A_182] {strides = array<i32>} : memref<144x16xf32, #tpu.memory_space<vmem>>, vector<1x16xf32>,
          %get3A_184 = vector.shape_cast %get3A_183 : vector<1x16xf32> to vector<16xf32>
          %ge3A_185 = arith.cmpf oge, %get3A_184, %mul3A_58 : vector<16xf32>
          %get3A_186 = arith.index_cast %scan3A_180 : i32 to index
          %get3A_187 = arith.constant 0 : index
          %get3A_188 = tpu.vector_load %arg9[%get3A_186, %get3A_187] {strides = array<i32>} : memref<288x16xf32, #tpu.memory_space<vmem>>, vector<1x16xf32>,
          %get3A_189 = vector.shape_cast %get3A_188 : vector<1x16xf32> to vector<16xf32>
          %select_n3A_190 = arith.select %ge3A_185, %get3A_189, %broadcast_in_dim3A_1 : vector<16xi1>, vector<16xf32>
          %add3A_191 = arith.addf %add3A_178, %select_n3A_190 : vector<16xf32>
          %le3A_192 = arith.cmpf ole, %get3A_184, %neg3A_61 : vector<16xf32>
          %add3A_193 = arith.constant 144 : i32
          %add3A_194 = arith.addi %add3A_193, %scan3A_180 : i32
          %get3A_195 = arith.index_cast %add3A_194 : i32 to index
          %get3A_196 = arith.constant 0 : index
          %get3A_197 = tpu.vector_load %arg9[%get3A_195, %get3A_196] {strides = array<i32>} : memref<288x16xf32, #tpu.memory_space<vmem>>, vector<1x16xf32>,
          %get3A_198 = vector.shape_cast %get3A_197 : vector<1x16xf32> to vector<16xf32>
          %select_n3A_199 = arith.select %le3A_192, %get3A_198, %broadcast_in_dim3A_1 : vector<16xi1>, vector<16xf32>
          %add3A_200 = arith.addf %add3A_191, %select_n3A_199 : vector<16xf32>
          %scan3A_201 = arith.constant 6 : i32
          %scan3A_202 = arith.addi %scan3A_70, %scan3A_201 : i32
          %get3A_203 = arith.index_cast %scan3A_202 : i32 to index
          %get3A_204 = arith.constant 0 : index
          %get3A_205 = tpu.vector_load %arg10[%get3A_203, %get3A_204] {strides = array<i32>} : memref<144x16xf32, #tpu.memory_space<vmem>>, vector<1x16xf32>,
          %get3A_206 = vector.shape_cast %get3A_205 : vector<1x16xf32> to vector<16xf32>
          %ge3A_207 = arith.cmpf oge, %get3A_206, %mul3A_58 : vector<16xf32>
          %get3A_208 = arith.index_cast %scan3A_202 : i32 to index
          %get3A_209 = arith.constant 0 : index
          %get3A_210 = tpu.vector_load %arg9[%get3A_208, %get3A_209] {strides = array<i32>} : memref<288x16xf32, #tpu.memory_space<vmem>>, vector<1x16xf32>,
          %get3A_211 = vector.shape_cast %get3A_210 : vector<1x16xf32> to vector<16xf32>
          %select_n3A_212 = arith.select %ge3A_207, %get3A_211, %broadcast_in_dim3A_1 : vector<16xi1>, vector<16xf32>
          %add3A_213 = arith.addf %add3A_200, %select_n3A_212 : vector<16xf32>
          %le3A_214 = arith.cmpf ole, %get3A_206, %neg3A_61 : vector<16xf32>
          %add3A_215 = arith.constant 144 : i32
          %add3A_216 = arith.addi %add3A_215, %scan3A_202 : i32
          %get3A_217 = arith.index_cast %add3A_216 : i32 to index
          %get3A_218 = arith.constant 0 : index
          %get3A_219 = tpu.vector_load %arg9[%get3A_217, %get3A_218] {strides = array<i32>} : memref<288x16xf32, #tpu.memory_space<vmem>>, vector<1x16xf32>,
          %get3A_220 = vector.shape_cast %get3A_219 : vector<1x16xf32> to vector<16xf32>
          %select_n3A_221 = arith.select %le3A_214, %get3A_220, %broadcast_in_dim3A_1 : vector<16xi1>, vector<16xf32>
          %add3A_222 = arith.addf %add3A_213, %select_n3A_221 : vector<16xf32>
          %scan3A_223 = arith.constant 7 : i32
          %scan3A_224 = arith.addi %scan3A_70, %scan3A_223 : i32
          %get3A_225 = arith.index_cast %scan3A_224 : i32 to index
          %get3A_226 = arith.constant 0 : index
          %get3A_227 = tpu.vector_load %arg10[%get3A_225, %get3A_226] {strides = array<i32>} : memref<144x16xf32, #tpu.memory_space<vmem>>, vector<1x16xf32>,
          %get3A_228 = vector.shape_cast %get3A_227 : vector<1x16xf32> to vector<16xf32>
          %ge3A_229 = arith.cmpf oge, %get3A_228, %mul3A_58 : vector<16xf32>
          %get3A_230 = arith.index_cast %scan3A_224 : i32 to index
          %get3A_231 = arith.constant 0 : index
          %get3A_232 = tpu.vector_load %arg9[%get3A_230, %get3A_231] {strides = array<i32>} : memref<288x16xf32, #tpu.memory_space<vmem>>, vector<1x16xf32>,
          %get3A_233 = vector.shape_cast %get3A_232 : vector<1x16xf32> to vector<16xf32>
          %select_n3A_234 = arith.select %ge3A_229, %get3A_233, %broadcast_in_dim3A_1 : vector<16xi1>, vector<16xf32>
          %add3A_235 = arith.addf %add3A_222, %select_n3A_234 : vector<16xf32>
          %le3A_236 = arith.cmpf ole, %get3A_228, %neg3A_61 : vector<16xf32>
          %add3A_237 = arith.constant 144 : i32
          %add3A_238 = arith.addi %add3A_237, %scan3A_224 : i32
          %get3A_239 = arith.index_cast %add3A_238 : i32 to index
          %get3A_240 = arith.constant 0 : index
          %get3A_241 = tpu.vector_load %arg9[%get3A_239, %get3A_240] {strides = array<i32>} : memref<288x16xf32, #tpu.memory_space<vmem>>, vector<1x16xf32>,
          %get3A_242 = vector.shape_cast %get3A_241 : vector<1x16xf32> to vector<16xf32>
          %select_n3A_243 = arith.select %le3A_236, %get3A_242, %broadcast_in_dim3A_1 : vector<16xi1>, vector<16xf32>
          %add3A_244 = arith.addf %add3A_235, %select_n3A_243 : vector<16xf32>
          %scan3A_245 = arith.constant 8 : i32
          %scan3A_246 = arith.addi %scan3A_70, %scan3A_245 : i32
          %get3A_247 = arith.index_cast %scan3A_246 : i32 to index
          %get3A_248 = arith.constant 0 : index
          %get3A_249 = tpu.vector_load %arg10[%get3A_247, %get3A_248] {strides = array<i32>} : memref<144x16xf32, #tpu.memory_space<vmem>>, vector<1x16xf32>,
          %get3A_250 = vector.shape_cast %get3A_249 : vector<1x16xf32> to vector<16xf32>
          %ge3A_251 = arith.cmpf oge, %get3A_250, %mul3A_58 : vector<16xf32>
          %get3A_252 = arith.index_cast %scan3A_246 : i32 to index
          %get3A_253 = arith.constant 0 : index
          %get3A_254 = tpu.vector_load %arg9[%get3A_252, %get3A_253] {strides = array<i32>} : memref<288x16xf32, #tpu.memory_space<vmem>>, vector<1x16xf32>,
          %get3A_255 = vector.shape_cast %get3A_254 : vector<1x16xf32> to vector<16xf32>
          %select_n3A_256 = arith.select %ge3A_251, %get3A_255, %broadcast_in_dim3A_1 : vector<16xi1>, vector<16xf32>
          %add3A_257 = arith.addf %add3A_244, %select_n3A_256 : vector<16xf32>
          %le3A_258 = arith.cmpf ole, %get3A_250, %neg3A_61 : vector<16xf32>
          %add3A_259 = arith.constant 144 : i32
          %add3A_260 = arith.addi %add3A_259, %scan3A_246 : i32
          %get3A_261 = arith.index_cast %add3A_260 : i32 to index
          %get3A_262 = arith.constant 0 : index
          %get3A_263 = tpu.vector_load %arg9[%get3A_261, %get3A_262] {strides = array<i32>} : memref<288x16xf32, #tpu.memory_space<vmem>>, vector<1x16xf32>,
          %get3A_264 = vector.shape_cast %get3A_263 : vector<1x16xf32> to vector<16xf32>
          %select_n3A_265 = arith.select %le3A_258, %get3A_264, %broadcast_in_dim3A_1 : vector<16xi1>, vector<16xf32>
          %add3A_266 = arith.addf %add3A_257, %select_n3A_265 : vector<16xf32>
          %scan3A_267 = arith.constant 9 : i32
          %scan3A_268 = arith.addi %scan3A_70, %scan3A_267 : i32
          %get3A_269 = arith.index_cast %scan3A_268 : i32 to index
          %get3A_270 = arith.constant 0 : index
          %get3A_271 = tpu.vector_load %arg10[%get3A_269, %get3A_270] {strides = array<i32>} : memref<144x16xf32, #tpu.memory_space<vmem>>, vector<1x16xf32>,
          %get3A_272 = vector.shape_cast %get3A_271 : vector<1x16xf32> to vector<16xf32>
          %ge3A_273 = arith.cmpf oge, %get3A_272, %mul3A_58 : vector<16xf32>
          %get3A_274 = arith.index_cast %scan3A_268 : i32 to index
          %get3A_275 = arith.constant 0 : index
          %get3A_276 = tpu.vector_load %arg9[%get3A_274, %get3A_275] {strides = array<i32>} : memref<288x16xf32, #tpu.memory_space<vmem>>, vector<1x16xf32>,
          %get3A_277 = vector.shape_cast %get3A_276 : vector<1x16xf32> to vector<16xf32>
          %select_n3A_278 = arith.select %ge3A_273, %get3A_277, %broadcast_in_dim3A_1 : vector<16xi1>, vector<16xf32>
          %add3A_279 = arith.addf %add3A_266, %select_n3A_278 : vector<16xf32>
          %le3A_280 = arith.cmpf ole, %get3A_272, %neg3A_61 : vector<16xf32>
          %add3A_281 = arith.constant 144 : i32
          %add3A_282 = arith.addi %add3A_281, %scan3A_268 : i32
          %get3A_283 = arith.index_cast %add3A_282 : i32 to index
          %get3A_284 = arith.constant 0 : index
          %get3A_285 = tpu.vector_load %arg9[%get3A_283, %get3A_284] {strides = array<i32>} : memref<288x16xf32, #tpu.memory_space<vmem>>, vector<1x16xf32>,
          %get3A_286 = vector.shape_cast %get3A_285 : vector<1x16xf32> to vector<16xf32>
          %select_n3A_287 = arith.select %le3A_280, %get3A_286, %broadcast_in_dim3A_1 : vector<16xi1>, vector<16xf32>
          %add3A_288 = arith.addf %add3A_279, %select_n3A_287 : vector<16xf32>
          %scan3A_289 = arith.constant 10 : i32
          %scan3A_290 = arith.addi %scan3A_70, %scan3A_289 : i32
          %get3A_291 = arith.index_cast %scan3A_290 : i32 to index
          %get3A_292 = arith.constant 0 : index
          %get3A_293 = tpu.vector_load %arg10[%get3A_291, %get3A_292] {strides = array<i32>} : memref<144x16xf32, #tpu.memory_space<vmem>>, vector<1x16xf32>,
          %get3A_294 = vector.shape_cast %get3A_293 : vector<1x16xf32> to vector<16xf32>
          %ge3A_295 = arith.cmpf oge, %get3A_294, %mul3A_58 : vector<16xf32>
          %get3A_296 = arith.index_cast %scan3A_290 : i32 to index
          %get3A_297 = arith.constant 0 : index
          %get3A_298 = tpu.vector_load %arg9[%get3A_296, %get3A_297] {strides = array<i32>} : memref<288x16xf32, #tpu.memory_space<vmem>>, vector<1x16xf32>,
          %get3A_299 = vector.shape_cast %get3A_298 : vector<1x16xf32> to vector<16xf32>
          %select_n3A_300 = arith.select %ge3A_295, %get3A_299, %broadcast_in_dim3A_1 : vector<16xi1>, vector<16xf32>
          %add3A_301 = arith.addf %add3A_288, %select_n3A_300 : vector<16xf32>
          %le3A_302 = arith.cmpf ole, %get3A_294, %neg3A_61 : vector<16xf32>
          %add3A_303 = arith.constant 144 : i32
          %add3A_304 = arith.addi %add3A_303, %scan3A_290 : i32
          %get3A_305 = arith.index_cast %add3A_304 : i32 to index
          %get3A_306 = arith.constant 0 : index
          %get3A_307 = tpu.vector_load %arg9[%get3A_305, %get3A_306] {strides = array<i32>} : memref<288x16xf32, #tpu.memory_space<vmem>>, vector<1x16xf32>,
          %get3A_308 = vector.shape_cast %get3A_307 : vector<1x16xf32> to vector<16xf32>
          %select_n3A_309 = arith.select %le3A_302, %get3A_308, %broadcast_in_dim3A_1 : vector<16xi1>, vector<16xf32>
          %add3A_310 = arith.addf %add3A_301, %select_n3A_309 : vector<16xf32>
          %scan3A_311 = arith.constant 11 : i32
          %scan3A_312 = arith.addi %scan3A_70, %scan3A_311 : i32
          %get3A_313 = arith.index_cast %scan3A_312 : i32 to index
          %get3A_314 = arith.constant 0 : index
          %get3A_315 = tpu.vector_load %arg10[%get3A_313, %get3A_314] {strides = array<i32>} : memref<144x16xf32, #tpu.memory_space<vmem>>, vector<1x16xf32>,
          %get3A_316 = vector.shape_cast %get3A_315 : vector<1x16xf32> to vector<16xf32>
          %ge3A_317 = arith.cmpf oge, %get3A_316, %mul3A_58 : vector<16xf32>
          %get3A_318 = arith.index_cast %scan3A_312 : i32 to index
          %get3A_319 = arith.constant 0 : index
          %get3A_320 = tpu.vector_load %arg9[%get3A_318, %get3A_319] {strides = array<i32>} : memref<288x16xf32, #tpu.memory_space<vmem>>, vector<1x16xf32>,
          %get3A_321 = vector.shape_cast %get3A_320 : vector<1x16xf32> to vector<16xf32>
          %select_n3A_322 = arith.select %ge3A_317, %get3A_321, %broadcast_in_dim3A_1 : vector<16xi1>, vector<16xf32>
          %add3A_323 = arith.addf %add3A_310, %select_n3A_322 : vector<16xf32>
          %le3A_324 = arith.cmpf ole, %get3A_316, %neg3A_61 : vector<16xf32>
          %add3A_325 = arith.constant 144 : i32
          %add3A_326 = arith.addi %add3A_325, %scan3A_312 : i32
          %get3A_327 = arith.index_cast %add3A_326 : i32 to index
          %get3A_328 = arith.constant 0 : index
          %get3A_329 = tpu.vector_load %arg9[%get3A_327, %get3A_328] {strides = array<i32>} : memref<288x16xf32, #tpu.memory_space<vmem>>, vector<1x16xf32>,
          %get3A_330 = vector.shape_cast %get3A_329 : vector<1x16xf32> to vector<16xf32>
          %select_n3A_331 = arith.select %le3A_324, %get3A_330, %broadcast_in_dim3A_1 : vector<16xi1>, vector<16xf32>
          %add3A_332 = arith.addf %add3A_323, %select_n3A_331 : vector<16xf32>
          %scan3A_333 = arith.constant 12 : i32
          %scan3A_334 = arith.addi %scan3A_70, %scan3A_333 : i32
          %get3A_335 = arith.index_cast %scan3A_334 : i32 to index
          %get3A_336 = arith.constant 0 : index
          %get3A_337 = tpu.vector_load %arg10[%get3A_335, %get3A_336] {strides = array<i32>} : memref<144x16xf32, #tpu.memory_space<vmem>>, vector<1x16xf32>,
          %get3A_338 = vector.shape_cast %get3A_337 : vector<1x16xf32> to vector<16xf32>
          %ge3A_339 = arith.cmpf oge, %get3A_338, %mul3A_58 : vector<16xf32>
          %get3A_340 = arith.index_cast %scan3A_334 : i32 to index
          %get3A_341 = arith.constant 0 : index
          %get3A_342 = tpu.vector_load %arg9[%get3A_340, %get3A_341] {strides = array<i32>} : memref<288x16xf32, #tpu.memory_space<vmem>>, vector<1x16xf32>,
          %get3A_343 = vector.shape_cast %get3A_342 : vector<1x16xf32> to vector<16xf32>
          %select_n3A_344 = arith.select %ge3A_339, %get3A_343, %broadcast_in_dim3A_1 : vector<16xi1>, vector<16xf32>
          %add3A_345 = arith.addf %add3A_332, %select_n3A_344 : vector<16xf32>
          %le3A_346 = arith.cmpf ole, %get3A_338, %neg3A_61 : vector<16xf32>
          %add3A_347 = arith.constant 144 : i32
          %add3A_348 = arith.addi %add3A_347, %scan3A_334 : i32
          %get3A_349 = arith.index_cast %add3A_348 : i32 to index
          %get3A_350 = arith.constant 0 : index
          %get3A_351 = tpu.vector_load %arg9[%get3A_349, %get3A_350] {strides = array<i32>} : memref<288x16xf32, #tpu.memory_space<vmem>>, vector<1x16xf32>,
          %get3A_352 = vector.shape_cast %get3A_351 : vector<1x16xf32> to vector<16xf32>
          %select_n3A_353 = arith.select %le3A_346, %get3A_352, %broadcast_in_dim3A_1 : vector<16xi1>, vector<16xf32>
          %add3A_354 = arith.addf %add3A_345, %select_n3A_353 : vector<16xf32>
          %scan3A_355 = arith.constant 13 : i32
          %scan3A_356 = arith.addi %scan3A_70, %scan3A_355 : i32
          %get3A_357 = arith.index_cast %scan3A_356 : i32 to index
          %get3A_358 = arith.constant 0 : index
          %get3A_359 = tpu.vector_load %arg10[%get3A_357, %get3A_358] {strides = array<i32>} : memref<144x16xf32, #tpu.memory_space<vmem>>, vector<1x16xf32>,
          %get3A_360 = vector.shape_cast %get3A_359 : vector<1x16xf32> to vector<16xf32>
          %ge3A_361 = arith.cmpf oge, %get3A_360, %mul3A_58 : vector<16xf32>
          %get3A_362 = arith.index_cast %scan3A_356 : i32 to index
          %get3A_363 = arith.constant 0 : index
          %get3A_364 = tpu.vector_load %arg9[%get3A_362, %get3A_363] {strides = array<i32>} : memref<288x16xf32, #tpu.memory_space<vmem>>, vector<1x16xf32>,
          %get3A_365 = vector.shape_cast %get3A_364 : vector<1x16xf32> to vector<16xf32>
          %select_n3A_366 = arith.select %ge3A_361, %get3A_365, %broadcast_in_dim3A_1 : vector<16xi1>, vector<16xf32>
          %add3A_367 = arith.addf %add3A_354, %select_n3A_366 : vector<16xf32>
          %le3A_368 = arith.cmpf ole, %get3A_360, %neg3A_61 : vector<16xf32>
          %add3A_369 = arith.constant 144 : i32
          %add3A_370 = arith.addi %add3A_369, %scan3A_356 : i32
          %get3A_371 = arith.index_cast %add3A_370 : i32 to index
          %get3A_372 = arith.constant 0 : index
          %get3A_373 = tpu.vector_load %arg9[%get3A_371, %get3A_372] {strides = array<i32>} : memref<288x16xf32, #tpu.memory_space<vmem>>, vector<1x16xf32>,
          %get3A_374 = vector.shape_cast %get3A_373 : vector<1x16xf32> to vector<16xf32>
          %select_n3A_375 = arith.select %le3A_368, %get3A_374, %broadcast_in_dim3A_1 : vector<16xi1>, vector<16xf32>
          %add3A_376 = arith.addf %add3A_367, %select_n3A_375 : vector<16xf32>
          %scan3A_377 = arith.constant 14 : i32
          %scan3A_378 = arith.addi %scan3A_70, %scan3A_377 : i32
          %get3A_379 = arith.index_cast %scan3A_378 : i32 to index
          %get3A_380 = arith.constant 0 : index
          %get3A_381 = tpu.vector_load %arg10[%get3A_379, %get3A_380] {strides = array<i32>} : memref<144x16xf32, #tpu.memory_space<vmem>>, vector<1x16xf32>,
          %get3A_382 = vector.shape_cast %get3A_381 : vector<1x16xf32> to vector<16xf32>
          %ge3A_383 = arith.cmpf oge, %get3A_382, %mul3A_58 : vector<16xf32>
          %get3A_384 = arith.index_cast %scan3A_378 : i32 to index
          %get3A_385 = arith.constant 0 : index
          %get3A_386 = tpu.vector_load %arg9[%get3A_384, %get3A_385] {strides = array<i32>} : memref<288x16xf32, #tpu.memory_space<vmem>>, vector<1x16xf32>,
          %get3A_387 = vector.shape_cast %get3A_386 : vector<1x16xf32> to vector<16xf32>
          %select_n3A_388 = arith.select %ge3A_383, %get3A_387, %broadcast_in_dim3A_1 : vector<16xi1>, vector<16xf32>
          %add3A_389 = arith.addf %add3A_376, %select_n3A_388 : vector<16xf32>
          %le3A_390 = arith.cmpf ole, %get3A_382, %neg3A_61 : vector<16xf32>
          %add3A_391 = arith.constant 144 : i32
          %add3A_392 = arith.addi %add3A_391, %scan3A_378 : i32
          %get3A_393 = arith.index_cast %add3A_392 : i32 to index
          %get3A_394 = arith.constant 0 : index
          %get3A_395 = tpu.vector_load %arg9[%get3A_393, %get3A_394] {strides = array<i32>} : memref<288x16xf32, #tpu.memory_space<vmem>>, vector<1x16xf32>,
          %get3A_396 = vector.shape_cast %get3A_395 : vector<1x16xf32> to vector<16xf32>
          %select_n3A_397 = arith.select %le3A_390, %get3A_396, %broadcast_in_dim3A_1 : vector<16xi1>, vector<16xf32>
          %add3A_398 = arith.addf %add3A_389, %select_n3A_397 : vector<16xf32>
          %scan3A_399 = arith.constant 15 : i32
          %scan3A_400 = arith.addi %scan3A_70, %scan3A_399 : i32
          %get3A_401 = arith.index_cast %scan3A_400 : i32 to index
          %get3A_402 = arith.constant 0 : index
          %get3A_403 = tpu.vector_load %arg10[%get3A_401, %get3A_402] {strides = array<i32>} : memref<144x16xf32, #tpu.memory_space<vmem>>, vector<1x16xf32>,
          %get3A_404 = vector.shape_cast %get3A_403 : vector<1x16xf32> to vector<16xf32>
          %ge3A_405 = arith.cmpf oge, %get3A_404, %mul3A_58 : vector<16xf32>
          %get3A_406 = arith.index_cast %scan3A_400 : i32 to index
          %get3A_407 = arith.constant 0 : index
          %get3A_408 = tpu.vector_load %arg9[%get3A_406, %get3A_407] {strides = array<i32>} : memref<288x16xf32, #tpu.memory_space<vmem>>, vector<1x16xf32>,
          %get3A_409 = vector.shape_cast %get3A_408 : vector<1x16xf32> to vector<16xf32>
          %select_n3A_410 = arith.select %ge3A_405, %get3A_409, %broadcast_in_dim3A_1 : vector<16xi1>, vector<16xf32>
          %add3A_411 = arith.addf %add3A_398, %select_n3A_410 : vector<16xf32>
          %le3A_412 = arith.cmpf ole, %get3A_404, %neg3A_61 : vector<16xf32>
          %add3A_413 = arith.constant 144 : i32
          %add3A_414 = arith.addi %add3A_413, %scan3A_400 : i32
          %get3A_415 = arith.index_cast %add3A_414 : i32 to index
          %get3A_416 = arith.constant 0 : index
          %get3A_417 = tpu.vector_load %arg9[%get3A_415, %get3A_416] {strides = array<i32>} : memref<288x16xf32, #tpu.memory_space<vmem>>, vector<1x16xf32>,
          %get3A_418 = vector.shape_cast %get3A_417 : vector<1x16xf32> to vector<16xf32>
          %select_n3A_419 = arith.select %le3A_412, %get3A_418, %broadcast_in_dim3A_1 : vector<16xi1>, vector<16xf32>
          %add3A_420 = arith.addf %add3A_411, %select_n3A_419 : vector<16xf32>
          scf.yield %add3A_420 : vector<16xf32>
        }
        %scan3A_67 = arith.constant 144 : i32
        %le3A = arith.cmpf ole, %scan3A_66, %get3A_33 : vector<16xf32>
        %select_n3A_68 = arith.select %le3A, %scan3A_53, %mul3A_58 : vector<16xi1>, vector<16xf32>
        %select_n3A_69 = arith.select %le3A, %mul3A_58, %scan3A_54 : vector<16xi1>, vector<16xf32>
        scf.yield %select_n3A_68, %select_n3A_69 : vector<16xf32>, vector<16xf32>
      }
      %scan3A_39 = arith.constant 26 : i32
      %scan3A_40 = arith.constant 0 : i32
      %scan3A_41 = arith.constant 144 : i32
      %scan3A_42 = arith.addi %scan3A_40, %scan3A_41 : i32
      %scan3A_43 = arith.constant 8 : i32
      %scan3A_44 = scf.for %scan3A_52 = %scan3A_40 to %scan3A_42 step %scan3A_43 iter_args(%scan3A_53 = %broadcast_in_dim3A_3) -> (vector<16xf32>)  : i32 {
        %get3A_54 = arith.index_cast %scan3A_52 : i32 to index
        %get3A_55 = arith.constant 0 : index
        %get3A_56 = tpu.vector_load %arg10[%get3A_54, %get3A_55] {strides = array<i32>} : memref<144x16xf32, #tpu.memory_space<vmem>>, vector<1x16xf32>,
        %get3A_57 = vector.shape_cast %get3A_56 : vector<1x16xf32> to vector<16xf32>
        %ge3A = arith.cmpf oge, %get3A_57, %scan3A_38#1 : vector<16xf32>
        %select_n3A_58 = arith.select %ge3A, %get3A_57, %broadcast_in_dim3A_3 : vector<16xi1>, vector<16xf32>
        %min3A = arith.minimumf %scan3A_53, %select_n3A_58 : vector<16xf32>
        %neg3A_59 = arith.constant 0.000000e+00 : f32
        %neg3A_60 = vector.broadcast %neg3A_59 : f32 to vector<16xf32>
        %neg3A_61 = arith.subf %neg3A_60, %get3A_57 : vector<16xf32>
        %ge3A_62 = arith.cmpf oge, %neg3A_61, %scan3A_38#1 : vector<16xf32>
        %neg3A_63 = arith.constant 0.000000e+00 : f32
        %neg3A_64 = vector.broadcast %neg3A_63 : f32 to vector<16xf32>
        %neg3A_65 = arith.subf %neg3A_64, %get3A_57 : vector<16xf32>
        %select_n3A_66 = arith.select %ge3A_62, %neg3A_65, %broadcast_in_dim3A_3 : vector<16xi1>, vector<16xf32>
        %min3A_67 = arith.minimumf %min3A, %select_n3A_66 : vector<16xf32>
        %scan3A_68 = arith.constant 1 : i32
        %scan3A_69 = arith.addi %scan3A_52, %scan3A_68 : i32
        %get3A_70 = arith.index_cast %scan3A_69 : i32 to index
        %get3A_71 = arith.constant 0 : index
        %get3A_72 = tpu.vector_load %arg10[%get3A_70, %get3A_71] {strides = array<i32>} : memref<144x16xf32, #tpu.memory_space<vmem>>, vector<1x16xf32>,
        %get3A_73 = vector.shape_cast %get3A_72 : vector<1x16xf32> to vector<16xf32>
        %ge3A_74 = arith.cmpf oge, %get3A_73, %scan3A_38#1 : vector<16xf32>
        %select_n3A_75 = arith.select %ge3A_74, %get3A_73, %broadcast_in_dim3A_3 : vector<16xi1>, vector<16xf32>
        %min3A_76 = arith.minimumf %min3A_67, %select_n3A_75 : vector<16xf32>
        %neg3A_77 = arith.constant 0.000000e+00 : f32
        %neg3A_78 = vector.broadcast %neg3A_77 : f32 to vector<16xf32>
        %neg3A_79 = arith.subf %neg3A_78, %get3A_73 : vector<16xf32>
        %ge3A_80 = arith.cmpf oge, %neg3A_79, %scan3A_38#1 : vector<16xf32>
        %neg3A_81 = arith.constant 0.000000e+00 : f32
        %neg3A_82 = vector.broadcast %neg3A_81 : f32 to vector<16xf32>
        %neg3A_83 = arith.subf %neg3A_82, %get3A_73 : vector<16xf32>
        %select_n3A_84 = arith.select %ge3A_80, %neg3A_83, %broadcast_in_dim3A_3 : vector<16xi1>, vector<16xf32>
        %min3A_85 = arith.minimumf %min3A_76, %select_n3A_84 : vector<16xf32>
        %scan3A_86 = arith.constant 2 : i32
        %scan3A_87 = arith.addi %scan3A_52, %scan3A_86 : i32
        %get3A_88 = arith.index_cast %scan3A_87 : i32 to index
        %get3A_89 = arith.constant 0 : index
        %get3A_90 = tpu.vector_load %arg10[%get3A_88, %get3A_89] {strides = array<i32>} : memref<144x16xf32, #tpu.memory_space<vmem>>, vector<1x16xf32>,
        %get3A_91 = vector.shape_cast %get3A_90 : vector<1x16xf32> to vector<16xf32>
        %ge3A_92 = arith.cmpf oge, %get3A_91, %scan3A_38#1 : vector<16xf32>
        %select_n3A_93 = arith.select %ge3A_92, %get3A_91, %broadcast_in_dim3A_3 : vector<16xi1>, vector<16xf32>
        %min3A_94 = arith.minimumf %min3A_85, %select_n3A_93 : vector<16xf32>
        %neg3A_95 = arith.constant 0.000000e+00 : f32
        %neg3A_96 = vector.broadcast %neg3A_95 : f32 to vector<16xf32>
        %neg3A_97 = arith.subf %neg3A_96, %get3A_91 : vector<16xf32>
        %ge3A_98 = arith.cmpf oge, %neg3A_97, %scan3A_38#1 : vector<16xf32>
        %neg3A_99 = arith.constant 0.000000e+00 : f32
        %neg3A_100 = vector.broadcast %neg3A_99 : f32 to vector<16xf32>
        %neg3A_101 = arith.subf %neg3A_100, %get3A_91 : vector<16xf32>
        %select_n3A_102 = arith.select %ge3A_98, %neg3A_101, %broadcast_in_dim3A_3 : vector<16xi1>, vector<16xf32>
        %min3A_103 = arith.minimumf %min3A_94, %select_n3A_102 : vector<16xf32>
        %scan3A_104 = arith.constant 3 : i32
        %scan3A_105 = arith.addi %scan3A_52, %scan3A_104 : i32
        %get3A_106 = arith.index_cast %scan3A_105 : i32 to index
        %get3A_107 = arith.constant 0 : index
        %get3A_108 = tpu.vector_load %arg10[%get3A_106, %get3A_107] {strides = array<i32>} : memref<144x16xf32, #tpu.memory_space<vmem>>, vector<1x16xf32>,
        %get3A_109 = vector.shape_cast %get3A_108 : vector<1x16xf32> to vector<16xf32>
        %ge3A_110 = arith.cmpf oge, %get3A_109, %scan3A_38#1 : vector<16xf32>
        %select_n3A_111 = arith.select %ge3A_110, %get3A_109, %broadcast_in_dim3A_3 : vector<16xi1>, vector<16xf32>
        %min3A_112 = arith.minimumf %min3A_103, %select_n3A_111 : vector<16xf32>
        %neg3A_113 = arith.constant 0.000000e+00 : f32
        %neg3A_114 = vector.broadcast %neg3A_113 : f32 to vector<16xf32>
        %neg3A_115 = arith.subf %neg3A_114, %get3A_109 : vector<16xf32>
        %ge3A_116 = arith.cmpf oge, %neg3A_115, %scan3A_38#1 : vector<16xf32>
        %neg3A_117 = arith.constant 0.000000e+00 : f32
        %neg3A_118 = vector.broadcast %neg3A_117 : f32 to vector<16xf32>
        %neg3A_119 = arith.subf %neg3A_118, %get3A_109 : vector<16xf32>
        %select_n3A_120 = arith.select %ge3A_116, %neg3A_119, %broadcast_in_dim3A_3 : vector<16xi1>, vector<16xf32>
        %min3A_121 = arith.minimumf %min3A_112, %select_n3A_120 : vector<16xf32>
        %scan3A_122 = arith.constant 4 : i32
        %scan3A_123 = arith.addi %scan3A_52, %scan3A_122 : i32
        %get3A_124 = arith.index_cast %scan3A_123 : i32 to index
        %get3A_125 = arith.constant 0 : index
        %get3A_126 = tpu.vector_load %arg10[%get3A_124, %get3A_125] {strides = array<i32>} : memref<144x16xf32, #tpu.memory_space<vmem>>, vector<1x16xf32>,
        %get3A_127 = vector.shape_cast %get3A_126 : vector<1x16xf32> to vector<16xf32>
        %ge3A_128 = arith.cmpf oge, %get3A_127, %scan3A_38#1 : vector<16xf32>
        %select_n3A_129 = arith.select %ge3A_128, %get3A_127, %broadcast_in_dim3A_3 : vector<16xi1>, vector<16xf32>
        %min3A_130 = arith.minimumf %min3A_121, %select_n3A_129 : vector<16xf32>
        %neg3A_131 = arith.constant 0.000000e+00 : f32
        %neg3A_132 = vector.broadcast %neg3A_131 : f32 to vector<16xf32>
        %neg3A_133 = arith.subf %neg3A_132, %get3A_127 : vector<16xf32>
        %ge3A_134 = arith.cmpf oge, %neg3A_133, %scan3A_38#1 : vector<16xf32>
        %neg3A_135 = arith.constant 0.000000e+00 : f32
        %neg3A_136 = vector.broadcast %neg3A_135 : f32 to vector<16xf32>
        %neg3A_137 = arith.subf %neg3A_136, %get3A_127 : vector<16xf32>
        %select_n3A_138 = arith.select %ge3A_134, %neg3A_137, %broadcast_in_dim3A_3 : vector<16xi1>, vector<16xf32>
        %min3A_139 = arith.minimumf %min3A_130, %select_n3A_138 : vector<16xf32>
        %scan3A_140 = arith.constant 5 : i32
        %scan3A_141 = arith.addi %scan3A_52, %scan3A_140 : i32
        %get3A_142 = arith.index_cast %scan3A_141 : i32 to index
        %get3A_143 = arith.constant 0 : index
        %get3A_144 = tpu.vector_load %arg10[%get3A_142, %get3A_143] {strides = array<i32>} : memref<144x16xf32, #tpu.memory_space<vmem>>, vector<1x16xf32>,
        %get3A_145 = vector.shape_cast %get3A_144 : vector<1x16xf32> to vector<16xf32>
        %ge3A_146 = arith.cmpf oge, %get3A_145, %scan3A_38#1 : vector<16xf32>
        %select_n3A_147 = arith.select %ge3A_146, %get3A_145, %broadcast_in_dim3A_3 : vector<16xi1>, vector<16xf32>
        %min3A_148 = arith.minimumf %min3A_139, %select_n3A_147 : vector<16xf32>
        %neg3A_149 = arith.constant 0.000000e+00 : f32
        %neg3A_150 = vector.broadcast %neg3A_149 : f32 to vector<16xf32>
        %neg3A_151 = arith.subf %neg3A_150, %get3A_145 : vector<16xf32>
        %ge3A_152 = arith.cmpf oge, %neg3A_151, %scan3A_38#1 : vector<16xf32>
        %neg3A_153 = arith.constant 0.000000e+00 : f32
        %neg3A_154 = vector.broadcast %neg3A_153 : f32 to vector<16xf32>
        %neg3A_155 = arith.subf %neg3A_154, %get3A_145 : vector<16xf32>
        %select_n3A_156 = arith.select %ge3A_152, %neg3A_155, %broadcast_in_dim3A_3 : vector<16xi1>, vector<16xf32>
        %min3A_157 = arith.minimumf %min3A_148, %select_n3A_156 : vector<16xf32>
        %scan3A_158 = arith.constant 6 : i32
        %scan3A_159 = arith.addi %scan3A_52, %scan3A_158 : i32
        %get3A_160 = arith.index_cast %scan3A_159 : i32 to index
        %get3A_161 = arith.constant 0 : index
        %get3A_162 = tpu.vector_load %arg10[%get3A_160, %get3A_161] {strides = array<i32>} : memref<144x16xf32, #tpu.memory_space<vmem>>, vector<1x16xf32>,
        %get3A_163 = vector.shape_cast %get3A_162 : vector<1x16xf32> to vector<16xf32>
        %ge3A_164 = arith.cmpf oge, %get3A_163, %scan3A_38#1 : vector<16xf32>
        %select_n3A_165 = arith.select %ge3A_164, %get3A_163, %broadcast_in_dim3A_3 : vector<16xi1>, vector<16xf32>
        %min3A_166 = arith.minimumf %min3A_157, %select_n3A_165 : vector<16xf32>
        %neg3A_167 = arith.constant 0.000000e+00 : f32
        %neg3A_168 = vector.broadcast %neg3A_167 : f32 to vector<16xf32>
        %neg3A_169 = arith.subf %neg3A_168, %get3A_163 : vector<16xf32>
        %ge3A_170 = arith.cmpf oge, %neg3A_169, %scan3A_38#1 : vector<16xf32>
        %neg3A_171 = arith.constant 0.000000e+00 : f32
        %neg3A_172 = vector.broadcast %neg3A_171 : f32 to vector<16xf32>
        %neg3A_173 = arith.subf %neg3A_172, %get3A_163 : vector<16xf32>
        %select_n3A_174 = arith.select %ge3A_170, %neg3A_173, %broadcast_in_dim3A_3 : vector<16xi1>, vector<16xf32>
        %min3A_175 = arith.minimumf %min3A_166, %select_n3A_174 : vector<16xf32>
        %scan3A_176 = arith.constant 7 : i32
        %scan3A_177 = arith.addi %scan3A_52, %scan3A_176 : i32
        %get3A_178 = arith.index_cast %scan3A_177 : i32 to index
        %get3A_179 = arith.constant 0 : index
        %get3A_180 = tpu.vector_load %arg10[%get3A_178, %get3A_179] {strides = array<i32>} : memref<144x16xf32, #tpu.memory_space<vmem>>, vector<1x16xf32>,
        %get3A_181 = vector.shape_cast %get3A_180 : vector<1x16xf32> to vector<16xf32>
        %ge3A_182 = arith.cmpf oge, %get3A_181, %scan3A_38#1 : vector<16xf32>
        %select_n3A_183 = arith.select %ge3A_182, %get3A_181, %broadcast_in_dim3A_3 : vector<16xi1>, vector<16xf32>
        %min3A_184 = arith.minimumf %min3A_175, %select_n3A_183 : vector<16xf32>
        %neg3A_185 = arith.constant 0.000000e+00 : f32
        %neg3A_186 = vector.broadcast %neg3A_185 : f32 to vector<16xf32>
        %neg3A_187 = arith.subf %neg3A_186, %get3A_181 : vector<16xf32>
        %ge3A_188 = arith.cmpf oge, %neg3A_187, %scan3A_38#1 : vector<16xf32>
        %neg3A_189 = arith.constant 0.000000e+00 : f32
        %neg3A_190 = vector.broadcast %neg3A_189 : f32 to vector<16xf32>
        %neg3A_191 = arith.subf %neg3A_190, %get3A_181 : vector<16xf32>
        %select_n3A_192 = arith.select %ge3A_188, %neg3A_191, %broadcast_in_dim3A_3 : vector<16xi1>, vector<16xf32>
        %min3A_193 = arith.minimumf %min3A_184, %select_n3A_192 : vector<16xf32>
        scf.yield %min3A_193 : vector<16xf32>
      }
      %scan3A_45 = arith.constant 144 : i32
      %gt3A = arith.constant 9.99999968E+37 : f32
      %gt3A_46 = vector.broadcast %gt3A : f32 to vector<16xf32>
      %gt3A_47 = arith.cmpf ogt, %scan3A_44, %gt3A_46 : vector<16xf32>
      %select_n3A = arith.select %gt3A_47, %scan3A_22, %scan3A_44 : vector<16xi1>, vector<16xf32>
      %swap3A = arith.index_cast %add3A_12 : i32 to index
      %swap3A_48 = arith.constant 0 : index
      %swap3A_49 = tpu.vector_load %arg12[%swap3A, %swap3A_48] {strides = array<i32>} : memref<32x16xf32, #tpu.memory_space<vmem>>, vector<1x16xf32>,
      %swap3A_50 = vector.shape_cast %swap3A_49 : vector<1x16xf32> to vector<16xf32>
      %swap3A_51 = vector.shape_cast %select_n3A : vector<16xf32> to vector<1x16xf32>
      tpu.vector_store %arg12[%swap3A, %swap3A_48], %swap3A_51 {strides = array<i32>} : memref<32x16xf32, #tpu.memory_space<vmem>>, vector<1x16xf32>,
    }
    %scan3A_7 = arith.constant 32 : i32
    "tpu.region"() ({
      %run_scoped3A = tpu.sem_alloc : memref<!tpu.dma_semaphore, #tpu.memory_space<semaphore_mem>>
      %dma_start3A = arith.constant 0 : i32
      %dma_start3A_8 = arith.constant 0 : i32
      %dma_start3A_9 = tpu.memref_slice %arg6[%add3A, %dma_start3A, %dma_start3A_8] : memref<32x32x16xf32, #tpu.memory_space<hbm>> -> memref<1x32x16xf32, #tpu.memory_space<hbm>>
      %dma_start3A_10 = tpu.memref_squeeze %dma_start3A_9 : memref<1x32x16xf32, #tpu.memory_space<hbm>> -> memref<32x16xf32, #tpu.memory_space<hbm>>
      %dma_start3A_11 = arith.constant 0 : i32
      %dma_start3A_12 = arith.constant 0 : i32
      %dma_start3A_13 = tpu.memref_slice %arg6[%add3A, %dma_start3A_11, %dma_start3A_12] : memref<32x32x16xf32, #tpu.memory_space<hbm>> -> memref<1x32x16xf32, #tpu.memory_space<hbm>>
      %dma_start3A_14 = tpu.memref_squeeze %dma_start3A_13 : memref<1x32x16xf32, #tpu.memory_space<hbm>> -> memref<32x16xf32, #tpu.memory_space<hbm>>
      tpu.enqueue_dma source(%arg12 : memref<32x16xf32, #tpu.memory_space<vmem>>) target(%dma_start3A_14 : memref<32x16xf32, #tpu.memory_space<hbm>>) target_semaphore(%run_scoped3A : memref<!tpu.dma_semaphore, #tpu.memory_space<semaphore_mem>>)
      %dma_wait3A = arith.constant 0 : i32
      %dma_wait3A_15 = arith.constant 0 : i32
      %dma_wait3A_16 = tpu.memref_slice %arg6[%add3A, %dma_wait3A, %dma_wait3A_15] : memref<32x32x16xf32, #tpu.memory_space<hbm>> -> memref<1x32x16xf32, #tpu.memory_space<hbm>>
      %dma_wait3A_17 = tpu.memref_squeeze %dma_wait3A_16 : memref<1x32x16xf32, #tpu.memory_space<hbm>> -> memref<32x16xf32, #tpu.memory_space<hbm>>
      %dma_wait3A_18 = arith.constant 0 : i32
      %dma_wait3A_19 = arith.constant 0 : i32
      %dma_wait3A_20 = tpu.memref_slice %arg6[%add3A, %dma_wait3A_18, %dma_wait3A_19] : memref<32x32x16xf32, #tpu.memory_space<hbm>> -> memref<1x32x16xf32, #tpu.memory_space<hbm>>
      %dma_wait3A_21 = tpu.memref_squeeze %dma_wait3A_20 : memref<1x32x16xf32, #tpu.memory_space<hbm>> -> memref<32x16xf32, #tpu.memory_space<hbm>>
      tpu.wait_dma2 semaphore(%run_scoped3A : memref<!tpu.dma_semaphore, #tpu.memory_space<semaphore_mem>>) src(%arg12 : memref<32x16xf32, #tpu.memory_space<vmem>>) dst(%dma_wait3A_21 : memref<32x16xf32, #tpu.memory_space<hbm>>)
      tpu.yield
    }) : () -> ()
    return
  }
}

module attributes {stable_mosaic.version = 14 : i64} {
  func.func @_wos_block(%arg0: i32, %arg1: memref<144x3584xf32, #tpu.memory_space<vmem>>, %arg2: memref<4x144x1xf32, #tpu.memory_space<vmem>>, %arg3: memref<4x288x1xf32, #tpu.memory_space<vmem>>, %arg4: memref<4x1x1xf32, #tpu.memory_space<vmem>>, %arg5: memref<4x1x3584xf32, #tpu.memory_space<vmem>>) attributes {dimension_semantics = [#tpu.dimension_semantics<arbitrary>], iteration_bounds = array<i64: 8>, scalar_prefetch = 0 : i64, scratch_operands = 0 : i64, tpu.core_type = #tpu.core_type<tc>, window_params = [{pipeline_mode = #tpu.pipeline_mode<synchronous>, transform_indices = @transform_0, window_bounds = array<i64: 144, 3584>}, {transform_indices = @transform_1, window_bounds = array<i64: 4, 144, 1>}, {transform_indices = @transform_2, window_bounds = array<i64: 4, 288, 1>}, {transform_indices = @transform_3, window_bounds = array<i64: 4, 1, 1>}, {transform_indices = @transform_4, window_bounds = array<i64: 4, 1, 3584>}]} {
    %get3A = arith.constant 0 : index
    %get3A_0 = arith.constant 0 : index
    %get3A_1 = vector.load %arg1[%get3A, %get3A_0] : memref<144x3584xf32, #tpu.memory_space<vmem>>, vector<144x3584xf32>
    %get3A_2 = arith.constant 0 : index
    %get3A_3 = arith.constant 0 : index
    %get3A_4 = arith.constant 0 : index
    %get3A_5 = vector.load %arg2[%get3A_2, %get3A_3, %get3A_4] : memref<4x144x1xf32, #tpu.memory_space<vmem>>, vector<4x144x1xf32>
    %slice3A = vector.extract_strided_slice %get3A_5 {offsets = [0, 0, 0], sizes = [1, 144, 1], strides = [1, 1, 1]} : vector<4x144x1xf32> to vector<1x144x1xf32>
    %squeeze3A = vector.shape_cast %slice3A : vector<1x144x1xf32> to vector<144x1xf32>
    %add3A = vector.broadcast %squeeze3A : vector<144x1xf32> to vector<144x3584xf32>
    %add3A_6 = arith.addf %get3A_1, %add3A : vector<144x3584xf32>
    %neg3A = arith.constant 0.000000e+00 : f32
    %neg3A_7 = vector.broadcast %neg3A : f32 to vector<144x3584xf32>
    %neg3A_8 = arith.subf %neg3A_7, %add3A_6 : vector<144x3584xf32>
    %concatenate3A = tpu.concatenate %add3A_6, %neg3A_8 in 0 : vector<144x3584xf32>, vector<144x3584xf32> -> vector<288x3584xf32>
    %get3A_9 = arith.constant 0 : index
    %get3A_10 = arith.constant 0 : index
    %get3A_11 = arith.constant 0 : index
    %get3A_12 = vector.load %arg3[%get3A_9, %get3A_10, %get3A_11] : memref<4x288x1xf32, #tpu.memory_space<vmem>>, vector<4x288x1xf32>
    %slice3A_13 = vector.extract_strided_slice %get3A_12 {offsets = [0, 0, 0], sizes = [1, 288, 1], strides = [1, 1, 1]} : vector<4x288x1xf32> to vector<1x288x1xf32>
    %squeeze3A_14 = vector.shape_cast %slice3A_13 : vector<1x288x1xf32> to vector<288x1xf32>
    %get3A_15 = arith.constant 0 : index
    %get3A_16 = arith.constant 0 : index
    %get3A_17 = arith.constant 0 : index
    %get3A_18 = vector.load %arg4[%get3A_15, %get3A_16, %get3A_17] : memref<4x1x1xf32, #tpu.memory_space<vmem>>, vector<4x1x1xf32>
    %slice3A_19 = vector.extract_strided_slice %get3A_18 {offsets = [0, 0, 0], sizes = [1, 1, 1], strides = [1, 1, 1]} : vector<4x1x1xf32> to vector<1x1x1xf32>
    %squeeze3A_20 = vector.shape_cast %slice3A_19 : vector<1x1x1xf32> to vector<1x1xf32>
    %reduce_max3A = arith.constant dense<0xFF800000> : vector<3584xf32>
    %reduce_max3A_21 = vector.multi_reduction <maximumf>, %concatenate3A, %reduce_max3A [0] : vector<288x3584xf32> to vector<3584xf32>
    %broadcast_in_dim3A = vector.shape_cast %reduce_max3A_21 : vector<3584xf32> to vector<1x3584xf32>
    %get3A_22 = arith.constant 0 : index
    %get3A_23 = arith.constant 0 : index
    %get3A_24 = arith.constant 0 : index
    %get3A_25 = vector.load %arg2[%get3A_22, %get3A_23, %get3A_24] : memref<4x144x1xf32, #tpu.memory_space<vmem>>, vector<4x144x1xf32>
    %slice3A_26 = vector.extract_strided_slice %get3A_25 {offsets = [1, 0, 0], sizes = [1, 144, 1], strides = [1, 1, 1]} : vector<4x144x1xf32> to vector<1x144x1xf32>
    %squeeze3A_27 = vector.shape_cast %slice3A_26 : vector<1x144x1xf32> to vector<144x1xf32>
    %add3A_28 = vector.broadcast %squeeze3A_27 : vector<144x1xf32> to vector<144x3584xf32>
    %add3A_29 = arith.addf %get3A_1, %add3A_28 : vector<144x3584xf32>
    %neg3A_30 = arith.constant 0.000000e+00 : f32
    %neg3A_31 = vector.broadcast %neg3A_30 : f32 to vector<144x3584xf32>
    %neg3A_32 = arith.subf %neg3A_31, %add3A_29 : vector<144x3584xf32>
    %concatenate3A_33 = tpu.concatenate %add3A_29, %neg3A_32 in 0 : vector<144x3584xf32>, vector<144x3584xf32> -> vector<288x3584xf32>
    %get3A_34 = arith.constant 0 : index
    %get3A_35 = arith.constant 0 : index
    %get3A_36 = arith.constant 0 : index
    %get3A_37 = vector.load %arg3[%get3A_34, %get3A_35, %get3A_36] : memref<4x288x1xf32, #tpu.memory_space<vmem>>, vector<4x288x1xf32>
    %slice3A_38 = vector.extract_strided_slice %get3A_37 {offsets = [1, 0, 0], sizes = [1, 288, 1], strides = [1, 1, 1]} : vector<4x288x1xf32> to vector<1x288x1xf32>
    %squeeze3A_39 = vector.shape_cast %slice3A_38 : vector<1x288x1xf32> to vector<288x1xf32>
    %get3A_40 = arith.constant 0 : index
    %get3A_41 = arith.constant 0 : index
    %get3A_42 = arith.constant 0 : index
    %get3A_43 = vector.load %arg4[%get3A_40, %get3A_41, %get3A_42] : memref<4x1x1xf32, #tpu.memory_space<vmem>>, vector<4x1x1xf32>
    %slice3A_44 = vector.extract_strided_slice %get3A_43 {offsets = [1, 0, 0], sizes = [1, 1, 1], strides = [1, 1, 1]} : vector<4x1x1xf32> to vector<1x1x1xf32>
    %squeeze3A_45 = vector.shape_cast %slice3A_44 : vector<1x1x1xf32> to vector<1x1xf32>
    %reduce_max3A_46 = arith.constant dense<0xFF800000> : vector<3584xf32>
    %reduce_max3A_47 = vector.multi_reduction <maximumf>, %concatenate3A_33, %reduce_max3A_46 [0] : vector<288x3584xf32> to vector<3584xf32>
    %broadcast_in_dim3A_48 = vector.shape_cast %reduce_max3A_47 : vector<3584xf32> to vector<1x3584xf32>
    %get3A_49 = arith.constant 0 : index
    %get3A_50 = arith.constant 0 : index
    %get3A_51 = arith.constant 0 : index
    %get3A_52 = vector.load %arg2[%get3A_49, %get3A_50, %get3A_51] : memref<4x144x1xf32, #tpu.memory_space<vmem>>, vector<4x144x1xf32>
    %slice3A_53 = vector.extract_strided_slice %get3A_52 {offsets = [2, 0, 0], sizes = [1, 144, 1], strides = [1, 1, 1]} : vector<4x144x1xf32> to vector<1x144x1xf32>
    %squeeze3A_54 = vector.shape_cast %slice3A_53 : vector<1x144x1xf32> to vector<144x1xf32>
    %add3A_55 = vector.broadcast %squeeze3A_54 : vector<144x1xf32> to vector<144x3584xf32>
    %add3A_56 = arith.addf %get3A_1, %add3A_55 : vector<144x3584xf32>
    %neg3A_57 = arith.constant 0.000000e+00 : f32
    %neg3A_58 = vector.broadcast %neg3A_57 : f32 to vector<144x3584xf32>
    %neg3A_59 = arith.subf %neg3A_58, %add3A_56 : vector<144x3584xf32>
    %concatenate3A_60 = tpu.concatenate %add3A_56, %neg3A_59 in 0 : vector<144x3584xf32>, vector<144x3584xf32> -> vector<288x3584xf32>
    %get3A_61 = arith.constant 0 : index
    %get3A_62 = arith.constant 0 : index
    %get3A_63 = arith.constant 0 : index
    %get3A_64 = vector.load %arg3[%get3A_61, %get3A_62, %get3A_63] : memref<4x288x1xf32, #tpu.memory_space<vmem>>, vector<4x288x1xf32>
    %slice3A_65 = vector.extract_strided_slice %get3A_64 {offsets = [2, 0, 0], sizes = [1, 288, 1], strides = [1, 1, 1]} : vector<4x288x1xf32> to vector<1x288x1xf32>
    %squeeze3A_66 = vector.shape_cast %slice3A_65 : vector<1x288x1xf32> to vector<288x1xf32>
    %get3A_67 = arith.constant 0 : index
    %get3A_68 = arith.constant 0 : index
    %get3A_69 = arith.constant 0 : index
    %get3A_70 = vector.load %arg4[%get3A_67, %get3A_68, %get3A_69] : memref<4x1x1xf32, #tpu.memory_space<vmem>>, vector<4x1x1xf32>
    %slice3A_71 = vector.extract_strided_slice %get3A_70 {offsets = [2, 0, 0], sizes = [1, 1, 1], strides = [1, 1, 1]} : vector<4x1x1xf32> to vector<1x1x1xf32>
    %squeeze3A_72 = vector.shape_cast %slice3A_71 : vector<1x1x1xf32> to vector<1x1xf32>
    %reduce_max3A_73 = arith.constant dense<0xFF800000> : vector<3584xf32>
    %reduce_max3A_74 = vector.multi_reduction <maximumf>, %concatenate3A_60, %reduce_max3A_73 [0] : vector<288x3584xf32> to vector<3584xf32>
    %broadcast_in_dim3A_75 = vector.shape_cast %reduce_max3A_74 : vector<3584xf32> to vector<1x3584xf32>
    %get3A_76 = arith.constant 0 : index
    %get3A_77 = arith.constant 0 : index
    %get3A_78 = arith.constant 0 : index
    %get3A_79 = vector.load %arg2[%get3A_76, %get3A_77, %get3A_78] : memref<4x144x1xf32, #tpu.memory_space<vmem>>, vector<4x144x1xf32>
    %slice3A_80 = vector.extract_strided_slice %get3A_79 {offsets = [3, 0, 0], sizes = [1, 144, 1], strides = [1, 1, 1]} : vector<4x144x1xf32> to vector<1x144x1xf32>
    %squeeze3A_81 = vector.shape_cast %slice3A_80 : vector<1x144x1xf32> to vector<144x1xf32>
    %add3A_82 = vector.broadcast %squeeze3A_81 : vector<144x1xf32> to vector<144x3584xf32>
    %add3A_83 = arith.addf %get3A_1, %add3A_82 : vector<144x3584xf32>
    %neg3A_84 = arith.constant 0.000000e+00 : f32
    %neg3A_85 = vector.broadcast %neg3A_84 : f32 to vector<144x3584xf32>
    %neg3A_86 = arith.subf %neg3A_85, %add3A_83 : vector<144x3584xf32>
    %concatenate3A_87 = tpu.concatenate %add3A_83, %neg3A_86 in 0 : vector<144x3584xf32>, vector<144x3584xf32> -> vector<288x3584xf32>
    %get3A_88 = arith.constant 0 : index
    %get3A_89 = arith.constant 0 : index
    %get3A_90 = arith.constant 0 : index
    %get3A_91 = vector.load %arg3[%get3A_88, %get3A_89, %get3A_90] : memref<4x288x1xf32, #tpu.memory_space<vmem>>, vector<4x288x1xf32>
    %slice3A_92 = vector.extract_strided_slice %get3A_91 {offsets = [3, 0, 0], sizes = [1, 288, 1], strides = [1, 1, 1]} : vector<4x288x1xf32> to vector<1x288x1xf32>
    %squeeze3A_93 = vector.shape_cast %slice3A_92 : vector<1x288x1xf32> to vector<288x1xf32>
    %get3A_94 = arith.constant 0 : index
    %get3A_95 = arith.constant 0 : index
    %get3A_96 = arith.constant 0 : index
    %get3A_97 = vector.load %arg4[%get3A_94, %get3A_95, %get3A_96] : memref<4x1x1xf32, #tpu.memory_space<vmem>>, vector<4x1x1xf32>
    %slice3A_98 = vector.extract_strided_slice %get3A_97 {offsets = [3, 0, 0], sizes = [1, 1, 1], strides = [1, 1, 1]} : vector<4x1x1xf32> to vector<1x1x1xf32>
    %squeeze3A_99 = vector.shape_cast %slice3A_98 : vector<1x1x1xf32> to vector<1x1xf32>
    %reduce_max3A_100 = arith.constant dense<0xFF800000> : vector<3584xf32>
    %reduce_max3A_101 = vector.multi_reduction <maximumf>, %concatenate3A_87, %reduce_max3A_100 [0] : vector<288x3584xf32> to vector<3584xf32>
    %broadcast_in_dim3A_102 = vector.shape_cast %reduce_max3A_101 : vector<3584xf32> to vector<1x3584xf32>
    %neg3A_103 = arith.constant 0.000000e+00 : f32
    %neg3A_104 = vector.broadcast %neg3A_103 : f32 to vector<1x3584xf32>
    %neg3A_105 = arith.subf %neg3A_104, %broadcast_in_dim3A : vector<1x3584xf32>
    %sub3A = arith.constant 1.000000e-03 : f32
    %sub3A_106 = vector.broadcast %sub3A : f32 to vector<1x3584xf32>
    %sub3A_107 = arith.subf %neg3A_105, %sub3A_106 : vector<1x3584xf32>
    %add3A_108 = arith.constant 1.000000e-03 : f32
    %add3A_109 = vector.broadcast %add3A_108 : f32 to vector<1x3584xf32>
    %add3A_110 = arith.addf %broadcast_in_dim3A, %add3A_109 : vector<1x3584xf32>
    %neg3A_111 = arith.constant 0.000000e+00 : f32
    %neg3A_112 = vector.broadcast %neg3A_111 : f32 to vector<1x3584xf32>
    %neg3A_113 = arith.subf %neg3A_112, %broadcast_in_dim3A_48 : vector<1x3584xf32>
    %sub3A_114 = arith.constant 1.000000e-03 : f32
    %sub3A_115 = vector.broadcast %sub3A_114 : f32 to vector<1x3584xf32>
    %sub3A_116 = arith.subf %neg3A_113, %sub3A_115 : vector<1x3584xf32>
    %add3A_117 = arith.constant 1.000000e-03 : f32
    %add3A_118 = vector.broadcast %add3A_117 : f32 to vector<1x3584xf32>
    %add3A_119 = arith.addf %broadcast_in_dim3A_48, %add3A_118 : vector<1x3584xf32>
    %neg3A_120 = arith.constant 0.000000e+00 : f32
    %neg3A_121 = vector.broadcast %neg3A_120 : f32 to vector<1x3584xf32>
    %neg3A_122 = arith.subf %neg3A_121, %broadcast_in_dim3A_75 : vector<1x3584xf32>
    %sub3A_123 = arith.constant 1.000000e-03 : f32
    %sub3A_124 = vector.broadcast %sub3A_123 : f32 to vector<1x3584xf32>
    %sub3A_125 = arith.subf %neg3A_122, %sub3A_124 : vector<1x3584xf32>
    %add3A_126 = arith.constant 1.000000e-03 : f32
    %add3A_127 = vector.broadcast %add3A_126 : f32 to vector<1x3584xf32>
    %add3A_128 = arith.addf %broadcast_in_dim3A_75, %add3A_127 : vector<1x3584xf32>
    %neg3A_129 = arith.constant 0.000000e+00 : f32
    %neg3A_130 = vector.broadcast %neg3A_129 : f32 to vector<1x3584xf32>
    %neg3A_131 = arith.subf %neg3A_130, %broadcast_in_dim3A_102 : vector<1x3584xf32>
    %sub3A_132 = arith.constant 1.000000e-03 : f32
    %sub3A_133 = vector.broadcast %sub3A_132 : f32 to vector<1x3584xf32>
    %sub3A_134 = arith.subf %neg3A_131, %sub3A_133 : vector<1x3584xf32>
    %add3A_135 = arith.constant 1.000000e-03 : f32
    %add3A_136 = vector.broadcast %add3A_135 : f32 to vector<1x3584xf32>
    %add3A_137 = arith.addf %broadcast_in_dim3A_102, %add3A_136 : vector<1x3584xf32>
    %scan3A = arith.constant 0 : i32
    %scan3A_138 = arith.constant 26 : i32
    %scan3A_139 = arith.addi %scan3A, %scan3A_138 : i32
    %scan3A_140 = arith.constant 1 : i32
    %scan3A_141:8 = scf.for %scan3A_189 = %scan3A to %scan3A_139 step %scan3A_140 iter_args(%scan3A_190 = %sub3A_107, %scan3A_191 = %add3A_110, %scan3A_192 = %sub3A_116, %scan3A_193 = %add3A_119, %scan3A_194 = %sub3A_125, %scan3A_195 = %add3A_128, %scan3A_196 = %sub3A_134, %scan3A_197 = %add3A_137) -> (vector<1x3584xf32>, vector<1x3584xf32>, vector<1x3584xf32>, vector<1x3584xf32>, vector<1x3584xf32>, vector<1x3584xf32>, vector<1x3584xf32>, vector<1x3584xf32>)  : i32 {
      %add3A_198 = arith.addf %scan3A_190, %scan3A_191 : vector<1x3584xf32>
      %mul3A = arith.constant 5.000000e-01 : f32
      %mul3A_199 = vector.broadcast %mul3A : f32 to vector<1x3584xf32>
      %mul3A_200 = arith.mulf %mul3A_199, %add3A_198 : vector<1x3584xf32>
      %ge3A_201 = vector.broadcast %mul3A_200 : vector<1x3584xf32> to vector<288x3584xf32>
      %ge3A_202 = arith.cmpf oge, %concatenate3A, %ge3A_201 : vector<288x3584xf32>
      %jit3A_203 = arith.constant 0.000000e+00 : f32
      %broadcast_in_dim3A_204 = vector.shape_cast %squeeze3A_14 : vector<288x1xf32> to vector<288x1xf32>
      %broadcast_in_dim3A_205 = vector.broadcast %broadcast_in_dim3A_204 : vector<288x1xf32> to vector<288x3584xf32>
      %broadcast_in_dim3A_206 = vector.broadcast %jit3A_203 : f32 to vector<288x3584xf32>
      %select_n3A_207 = arith.select %ge3A_202, %broadcast_in_dim3A_205, %broadcast_in_dim3A_206 : vector<288x3584xi1>, vector<288x3584xf32>
      %reduce_sum3A = arith.constant dense<0.000000e+00> : vector<3584xf32>
      %reduce_sum3A_208 = vector.multi_reduction <add>, %select_n3A_207, %reduce_sum3A [0] : vector<288x3584xf32> to vector<3584xf32>
      %broadcast_in_dim3A_209 = vector.shape_cast %reduce_sum3A_208 : vector<3584xf32> to vector<1x3584xf32>
      %le3A = vector.broadcast %squeeze3A_20 : vector<1x1xf32> to vector<1x3584xf32>
      %le3A_210 = arith.cmpf ole, %broadcast_in_dim3A_209, %le3A : vector<1x3584xf32>
      %select_n3A_211 = arith.select %le3A_210, %scan3A_190, %mul3A_200 : vector<1x3584xi1>, vector<1x3584xf32>
      %select_n3A_212 = arith.select %le3A_210, %mul3A_200, %scan3A_191 : vector<1x3584xi1>, vector<1x3584xf32>
      %add3A_213 = arith.addf %scan3A_192, %scan3A_193 : vector<1x3584xf32>
      %mul3A_214 = arith.constant 5.000000e-01 : f32
      %mul3A_215 = vector.broadcast %mul3A_214 : f32 to vector<1x3584xf32>
      %mul3A_216 = arith.mulf %mul3A_215, %add3A_213 : vector<1x3584xf32>
      %ge3A_217 = vector.broadcast %mul3A_216 : vector<1x3584xf32> to vector<288x3584xf32>
      %ge3A_218 = arith.cmpf oge, %concatenate3A_33, %ge3A_217 : vector<288x3584xf32>
      %jit3A_219 = arith.constant 0.000000e+00 : f32
      %broadcast_in_dim3A_220 = vector.shape_cast %squeeze3A_39 : vector<288x1xf32> to vector<288x1xf32>
      %broadcast_in_dim3A_221 = vector.broadcast %broadcast_in_dim3A_220 : vector<288x1xf32> to vector<288x3584xf32>
      %broadcast_in_dim3A_222 = vector.broadcast %jit3A_219 : f32 to vector<288x3584xf32>
      %select_n3A_223 = arith.select %ge3A_218, %broadcast_in_dim3A_221, %broadcast_in_dim3A_222 : vector<288x3584xi1>, vector<288x3584xf32>
      %reduce_sum3A_224 = arith.constant dense<0.000000e+00> : vector<3584xf32>
      %reduce_sum3A_225 = vector.multi_reduction <add>, %select_n3A_223, %reduce_sum3A_224 [0] : vector<288x3584xf32> to vector<3584xf32>
      %broadcast_in_dim3A_226 = vector.shape_cast %reduce_sum3A_225 : vector<3584xf32> to vector<1x3584xf32>
      %le3A_227 = vector.broadcast %squeeze3A_45 : vector<1x1xf32> to vector<1x3584xf32>
      %le3A_228 = arith.cmpf ole, %broadcast_in_dim3A_226, %le3A_227 : vector<1x3584xf32>
      %select_n3A_229 = arith.select %le3A_228, %scan3A_192, %mul3A_216 : vector<1x3584xi1>, vector<1x3584xf32>
      %select_n3A_230 = arith.select %le3A_228, %mul3A_216, %scan3A_193 : vector<1x3584xi1>, vector<1x3584xf32>
      %add3A_231 = arith.addf %scan3A_194, %scan3A_195 : vector<1x3584xf32>
      %mul3A_232 = arith.constant 5.000000e-01 : f32
      %mul3A_233 = vector.broadcast %mul3A_232 : f32 to vector<1x3584xf32>
      %mul3A_234 = arith.mulf %mul3A_233, %add3A_231 : vector<1x3584xf32>
      %ge3A_235 = vector.broadcast %mul3A_234 : vector<1x3584xf32> to vector<288x3584xf32>
      %ge3A_236 = arith.cmpf oge, %concatenate3A_60, %ge3A_235 : vector<288x3584xf32>
      %jit3A_237 = arith.constant 0.000000e+00 : f32
      %broadcast_in_dim3A_238 = vector.shape_cast %squeeze3A_66 : vector<288x1xf32> to vector<288x1xf32>
      %broadcast_in_dim3A_239 = vector.broadcast %broadcast_in_dim3A_238 : vector<288x1xf32> to vector<288x3584xf32>
      %broadcast_in_dim3A_240 = vector.broadcast %jit3A_237 : f32 to vector<288x3584xf32>
      %select_n3A_241 = arith.select %ge3A_236, %broadcast_in_dim3A_239, %broadcast_in_dim3A_240 : vector<288x3584xi1>, vector<288x3584xf32>
      %reduce_sum3A_242 = arith.constant dense<0.000000e+00> : vector<3584xf32>
      %reduce_sum3A_243 = vector.multi_reduction <add>, %select_n3A_241, %reduce_sum3A_242 [0] : vector<288x3584xf32> to vector<3584xf32>
      %broadcast_in_dim3A_244 = vector.shape_cast %reduce_sum3A_243 : vector<3584xf32> to vector<1x3584xf32>
      %le3A_245 = vector.broadcast %squeeze3A_72 : vector<1x1xf32> to vector<1x3584xf32>
      %le3A_246 = arith.cmpf ole, %broadcast_in_dim3A_244, %le3A_245 : vector<1x3584xf32>
      %select_n3A_247 = arith.select %le3A_246, %scan3A_194, %mul3A_234 : vector<1x3584xi1>, vector<1x3584xf32>
      %select_n3A_248 = arith.select %le3A_246, %mul3A_234, %scan3A_195 : vector<1x3584xi1>, vector<1x3584xf32>
      %add3A_249 = arith.addf %scan3A_196, %scan3A_197 : vector<1x3584xf32>
      %mul3A_250 = arith.constant 5.000000e-01 : f32
      %mul3A_251 = vector.broadcast %mul3A_250 : f32 to vector<1x3584xf32>
      %mul3A_252 = arith.mulf %mul3A_251, %add3A_249 : vector<1x3584xf32>
      %ge3A_253 = vector.broadcast %mul3A_252 : vector<1x3584xf32> to vector<288x3584xf32>
      %ge3A_254 = arith.cmpf oge, %concatenate3A_87, %ge3A_253 : vector<288x3584xf32>
      %jit3A_255 = arith.constant 0.000000e+00 : f32
      %broadcast_in_dim3A_256 = vector.shape_cast %squeeze3A_93 : vector<288x1xf32> to vector<288x1xf32>
      %broadcast_in_dim3A_257 = vector.broadcast %broadcast_in_dim3A_256 : vector<288x1xf32> to vector<288x3584xf32>
      %broadcast_in_dim3A_258 = vector.broadcast %jit3A_255 : f32 to vector<288x3584xf32>
      %select_n3A_259 = arith.select %ge3A_254, %broadcast_in_dim3A_257, %broadcast_in_dim3A_258 : vector<288x3584xi1>, vector<288x3584xf32>
      %reduce_sum3A_260 = arith.constant dense<0.000000e+00> : vector<3584xf32>
      %reduce_sum3A_261 = vector.multi_reduction <add>, %select_n3A_259, %reduce_sum3A_260 [0] : vector<288x3584xf32> to vector<3584xf32>
      %broadcast_in_dim3A_262 = vector.shape_cast %reduce_sum3A_261 : vector<3584xf32> to vector<1x3584xf32>
      %le3A_263 = vector.broadcast %squeeze3A_99 : vector<1x1xf32> to vector<1x3584xf32>
      %le3A_264 = arith.cmpf ole, %broadcast_in_dim3A_262, %le3A_263 : vector<1x3584xf32>
      %select_n3A_265 = arith.select %le3A_264, %scan3A_196, %mul3A_252 : vector<1x3584xi1>, vector<1x3584xf32>
      %select_n3A_266 = arith.select %le3A_264, %mul3A_252, %scan3A_197 : vector<1x3584xi1>, vector<1x3584xf32>
      scf.yield %select_n3A_211, %select_n3A_212, %select_n3A_229, %select_n3A_230, %select_n3A_247, %select_n3A_248, %select_n3A_265, %select_n3A_266 : vector<1x3584xf32>, vector<1x3584xf32>, vector<1x3584xf32>, vector<1x3584xf32>, vector<1x3584xf32>, vector<1x3584xf32>, vector<1x3584xf32>, vector<1x3584xf32>
    }
    %ge3A = vector.broadcast %scan3A_141#1 : vector<1x3584xf32> to vector<288x3584xf32>
    %ge3A_142 = arith.cmpf oge, %concatenate3A, %ge3A : vector<288x3584xf32>
    %jit3A = arith.constant 3.000000e+38 : f32
    %broadcast_in_dim3A_143 = vector.broadcast %jit3A : f32 to vector<288x3584xf32>
    %select_n3A = arith.select %ge3A_142, %concatenate3A, %broadcast_in_dim3A_143 : vector<288x3584xi1>, vector<288x3584xf32>
    %reduce_min3A = arith.constant dense<0x7F800000> : vector<3584xf32>
    %reduce_min3A_144 = vector.multi_reduction <minimumf>, %select_n3A, %reduce_min3A [0] : vector<288x3584xf32> to vector<3584xf32>
    %broadcast_in_dim3A_145 = vector.shape_cast %reduce_min3A_144 : vector<3584xf32> to vector<1x3584xf32>
    %gt3A = arith.constant 9.99999968E+37 : f32
    %gt3A_146 = vector.broadcast %gt3A : f32 to vector<1x3584xf32>
    %gt3A_147 = arith.cmpf ogt, %broadcast_in_dim3A_145, %gt3A_146 : vector<1x3584xf32>
    %select_n3A_148 = arith.select %gt3A_147, %broadcast_in_dim3A, %broadcast_in_dim3A_145 : vector<1x3584xi1>, vector<1x3584xf32>
    %ge3A_149 = vector.broadcast %scan3A_141#3 : vector<1x3584xf32> to vector<288x3584xf32>
    %ge3A_150 = arith.cmpf oge, %concatenate3A_33, %ge3A_149 : vector<288x3584xf32>
    %jit3A_151 = arith.constant 3.000000e+38 : f32
    %broadcast_in_dim3A_152 = vector.broadcast %jit3A_151 : f32 to vector<288x3584xf32>
    %select_n3A_153 = arith.select %ge3A_150, %concatenate3A_33, %broadcast_in_dim3A_152 : vector<288x3584xi1>, vector<288x3584xf32>
    %reduce_min3A_154 = arith.constant dense<0x7F800000> : vector<3584xf32>
    %reduce_min3A_155 = vector.multi_reduction <minimumf>, %select_n3A_153, %reduce_min3A_154 [0] : vector<288x3584xf32> to vector<3584xf32>
    %broadcast_in_dim3A_156 = vector.shape_cast %reduce_min3A_155 : vector<3584xf32> to vector<1x3584xf32>
    %gt3A_157 = arith.constant 9.99999968E+37 : f32
    %gt3A_158 = vector.broadcast %gt3A_157 : f32 to vector<1x3584xf32>
    %gt3A_159 = arith.cmpf ogt, %broadcast_in_dim3A_156, %gt3A_158 : vector<1x3584xf32>
    %select_n3A_160 = arith.select %gt3A_159, %broadcast_in_dim3A_48, %broadcast_in_dim3A_156 : vector<1x3584xi1>, vector<1x3584xf32>
    %ge3A_161 = vector.broadcast %scan3A_141#5 : vector<1x3584xf32> to vector<288x3584xf32>
    %ge3A_162 = arith.cmpf oge, %concatenate3A_60, %ge3A_161 : vector<288x3584xf32>
    %jit3A_163 = arith.constant 3.000000e+38 : f32
    %broadcast_in_dim3A_164 = vector.broadcast %jit3A_163 : f32 to vector<288x3584xf32>
    %select_n3A_165 = arith.select %ge3A_162, %concatenate3A_60, %broadcast_in_dim3A_164 : vector<288x3584xi1>, vector<288x3584xf32>
    %reduce_min3A_166 = arith.constant dense<0x7F800000> : vector<3584xf32>
    %reduce_min3A_167 = vector.multi_reduction <minimumf>, %select_n3A_165, %reduce_min3A_166 [0] : vector<288x3584xf32> to vector<3584xf32>
    %broadcast_in_dim3A_168 = vector.shape_cast %reduce_min3A_167 : vector<3584xf32> to vector<1x3584xf32>
    %gt3A_169 = arith.constant 9.99999968E+37 : f32
    %gt3A_170 = vector.broadcast %gt3A_169 : f32 to vector<1x3584xf32>
    %gt3A_171 = arith.cmpf ogt, %broadcast_in_dim3A_168, %gt3A_170 : vector<1x3584xf32>
    %select_n3A_172 = arith.select %gt3A_171, %broadcast_in_dim3A_75, %broadcast_in_dim3A_168 : vector<1x3584xi1>, vector<1x3584xf32>
    %ge3A_173 = vector.broadcast %scan3A_141#7 : vector<1x3584xf32> to vector<288x3584xf32>
    %ge3A_174 = arith.cmpf oge, %concatenate3A_87, %ge3A_173 : vector<288x3584xf32>
    %jit3A_175 = arith.constant 3.000000e+38 : f32
    %broadcast_in_dim3A_176 = vector.broadcast %jit3A_175 : f32 to vector<288x3584xf32>
    %select_n3A_177 = arith.select %ge3A_174, %concatenate3A_87, %broadcast_in_dim3A_176 : vector<288x3584xi1>, vector<288x3584xf32>
    %reduce_min3A_178 = arith.constant dense<0x7F800000> : vector<3584xf32>
    %reduce_min3A_179 = vector.multi_reduction <minimumf>, %select_n3A_177, %reduce_min3A_178 [0] : vector<288x3584xf32> to vector<3584xf32>
    %broadcast_in_dim3A_180 = vector.shape_cast %reduce_min3A_179 : vector<3584xf32> to vector<1x3584xf32>
    %gt3A_181 = arith.constant 9.99999968E+37 : f32
    %gt3A_182 = vector.broadcast %gt3A_181 : f32 to vector<1x3584xf32>
    %gt3A_183 = arith.cmpf ogt, %broadcast_in_dim3A_180, %gt3A_182 : vector<1x3584xf32>
    %select_n3A_184 = arith.select %gt3A_183, %broadcast_in_dim3A_102, %broadcast_in_dim3A_180 : vector<1x3584xi1>, vector<1x3584xf32>
    %concatenate3A_185 = tpu.concatenate %select_n3A_148, %select_n3A_160, %select_n3A_172, %select_n3A_184 in 0 : vector<1x3584xf32>, vector<1x3584xf32>, vector<1x3584xf32>, vector<1x3584xf32> -> vector<4x3584xf32>
    %reshape3A = vector.shape_cast %concatenate3A_185 : vector<4x3584xf32> to vector<4x1x3584xf32>
    %swap3A = arith.constant 0 : index
    %swap3A_186 = arith.constant 0 : index
    %swap3A_187 = arith.constant 0 : index
    %swap3A_188 = vector.load %arg5[%swap3A, %swap3A_186, %swap3A_187] : memref<4x1x3584xf32, #tpu.memory_space<vmem>>, vector<4x1x3584xf32>
    tpu.vector_store %arg5[%swap3A, %swap3A_186, %swap3A_187], %reshape3A {strides = array<i32>} : memref<4x1x3584xf32, #tpu.memory_space<vmem>>, vector<4x1x3584xf32>,
    return
  }
  func.func @transform_0(%arg0: i32) -> (i32, i32) {
    %c0_i32 = arith.constant 0 : i32
    %c0_i32_0 = arith.constant 0 : i32
    %c0_i32_1 = arith.constant 0 : i32
    return %c0_i32, %c0_i32_0 : i32, i32
  }
  func.func @transform_1(%arg0: i32) -> (i32, i32, i32) {
    %c0_i32 = arith.constant 0 : i32
    %c0_i32_0 = arith.constant 0 : i32
    %c0_i32_1 = arith.constant 0 : i32
    return %arg0, %c0_i32, %c0_i32_0 : i32, i32, i32
  }
  func.func @transform_2(%arg0: i32) -> (i32, i32, i32) {
    %c0_i32 = arith.constant 0 : i32
    %c0_i32_0 = arith.constant 0 : i32
    %c0_i32_1 = arith.constant 0 : i32
    return %arg0, %c0_i32, %c0_i32_0 : i32, i32, i32
  }
  func.func @transform_3(%arg0: i32) -> (i32, i32, i32) {
    %c0_i32 = arith.constant 0 : i32
    %c0_i32_0 = arith.constant 0 : i32
    %c0_i32_1 = arith.constant 0 : i32
    return %arg0, %c0_i32, %c0_i32_0 : i32, i32, i32
  }
  func.func @transform_4(%arg0: i32) -> (i32, i32, i32) {
    %c0_i32 = arith.constant 0 : i32
    %c0_i32_0 = arith.constant 0 : i32
    %c0_i32_1 = arith.constant 0 : i32
    return %arg0, %c0_i32, %c0_i32_0 : i32, i32, i32
  }
}

</mosaic_0001>

<sc_bundles>
// kernel: kernel.4.cloned.1.call-start
scs
__scs_entry_jumppad:
0x0: {  	(pc) =	sbr.rel $0x88, $3  }
0x1: {  	(tag) =	ssettag $0x0;
	lr =	simm.s32 $0x1  }
0x2: {  	[smem:$0x3F9D] =	sst lr;
	_ =	strace $0xD0000000  }
0x3: {  	_ = 	snop  }
0x4: {  	_ = 	snop  }
0x5: {  	_ = 	snop  }
0x6: {  	_ = 	snop  }
0x7: {  	_ = 	snop  }
__scs_overlays_trampoline_lowered:
0x8: {  	[smem:$0x3FAC] =	sst s0  }
0x9: {  	[smem:$0x3FAD] =	sst s1  }
0xa: {  	[smem:$0x3FAE] =	sst s2  }
0xb: {  	[smem:$0x3FAF] =	sst s3  }
0xc: {  	[smem:$0x3FB0] =	sst s4  }
0xd: {  	[smem:$0x3FB1] =	sst s5  }
0xe: {  	[smem:$0x3FB2] =	sst s6  }
0xf: {  	[smem:$0x3FB3] =	sst s7  }
0x10: {  	[smem:$0x3FB4] =	sst s8  }
0x11: {  	[smem:$0x3FB5] =	sst s9;
	s0 =	simm.s32 @!p0 $0x0  }
0x12: {  	s1 =	sld [smem:$0x3F9B];
	s0 =	simm.s32 @p0 $0x1  }
0x13: {  	[smem:$0x3FB6] =	sst s0;
	s0 =	simm.s32 @!p1 $0x0  }
0x14: {  	s2 =	sld [smem:$0x3F9A];
	s0 =	simm.s32 @p1 $0x1  }
0x15: {  	[smem:$0x3FB7] =	sst s0;
	s0 =	simm.s32 @!p2 $0x0  }
0x16: {  	s3 =	sld [smem:$0x3FDB];
	s0 =	simm.s32 @p2 $0x1  }
0x17: {  	s4 =	simm.s32 $0x1BF5;
	[smem:$0x3FB9] =	sst s0  }
0x18: {  	s0 =	sld [smem:$0x3F9C];
	_ =	swait.ge [sflag:s4], $0x0  }
0x19: {  	s7 =	sld [smem:$0x3F9D]  }
0x1a: {  	s8 =	sadd.s32 $0xFFFFE003, lr  }
0x1b: {  	s9 =	sadd.s32 $0xFFFFFEF7, lr;
	s5 =	simm.s32 $0xFFFFFFFF;
	p2 =	slt.u32 s8, $0xFFFFF086  }
0x1c: {  	p1 =	slt.u32 s9, $0xF7A;
	s5 =	simm.s32 @!p2 $0x0  }
0x1d: {  	s5 =	simm.s32 @p1 $0x1;
	p0 =	seq.s32 s7, s2  }
0x1e: {  	s7 =	smul.u32 @!p0 $0xF7A, s2;
	p2 =	seq.s32 @!p0 s5, $0x0  }
0x1f: {  	s9 =	smul.u32 $0xF7A, s1;
	s8 =	simm.s32 @!p0 $0x1BF5;
	p2 =	por !p2, p0  }
0x20: {  	[sflag:s8] =	ssyncset.s32 @!p0 $0xFFFFF086;
	s6 =	sadd.s32 @!p0 s3, s7;
	s7 =	simm.s32 @!p0 $0x108  }
0x21: {  	s3 =	sadd.s32 s3, s9;
	s6 =	sadd.s32 @!p0 $0x88, s6;
	s7 =	simm.s32 @p2 $0x1082  }
0x22: {  	[simem:s7], [sflag:s8] =	dma.local @!p0 [hbm:s6], $0xF7A  }
0x23: {  	s9 =	sor.u32 $0xD0000000, s2;
	s6 =	simm.s32 $0x108;
	_ =	swait.ge @!p0 [sflag:s8], $0x0  }
0x24: {  	s3 =	sadd.s32 $0x88, s3;
	s6 =	simm.s32 @!p1 $0x1082;
	[sflag:s4] =	ssyncset.s32 $0xFFFFF086  }
0x25: {  	[simem:s6], [sflag:s4] =	dma.local [hbm:s3], $0xF7A  }
0x26: {  	[smem:$0x3F9D] =	sst s1;
	(tag) =	ssettag s2;
	_ =	strace s9  }
0x27: {  	s1 =	sld [smem:$0x3FAD]  }
0x28: {  	s2 =	sld [smem:$0x3FAE]  }
0x29: {  	s4 =	sld [smem:$0x3FB0]  }
0x2a: {  	p0 =	seq.s32 s5, $0x0;
	s5 =	sld [smem:$0x3FB1]  }
0x2b: {  	s6 =	sld [smem:$0x3FB2]  }
0x2c: {  	s7 =	sld [smem:$0x3FB3]  }
0x2d: {  	s3 =	simm.s32 $0x108;
	s8 =	sld [smem:$0x3FB4]  }
0x2e: {  	s3 =	simm.s32 @!p0 $0x1082;
	s9 =	sld [smem:$0x3FB5]  }
0x2f: {  	lr =	sadd.s32 s0, s3;
	s0 =	sld [smem:$0x3FAC]  }
0x30: {  	s3 =	sld [smem:$0x3FAF]  }
0x31: {  	[smem:$0x3FB8] =	sst s10  }
0x32: {  	s10 =	sld [smem:$0x3FB6];
	_ =	sdelay $0x3  }
0x33: {  	p0 =	seq.s32 s10, $0x1;
	s10 =	sld [smem:$0x3FB8];
	_ =	sdelay $0x3  }
0x34: {  	[smem:$0x3FB8] =	sst s10  }
0x35: {  	s10 =	sld [smem:$0x3FB7];
	_ =	sdelay $0x3  }
0x36: {  	p1 =	seq.s32 s10, $0x1;
	s10 =	sld [smem:$0x3FB8];
	_ =	sdelay $0x3  }
0x37: {  	[smem:$0x3FB8] =	sst s10  }
0x38: {  	s10 =	sld [smem:$0x3FB9]  }
0x39: {  	_ = 	snop;
	(pc) =	sbr.ind lr, $3  }
0x3a: {  	_ = 	snop  }
0x3b: {  	_ = 	snop  }
0x3c: {  	p2 =	seq.s32 s10, $0x1;
	s10 =	sld [smem:$0x3FB8]  }
0x3d: {  	_ =	shalt  }
0x3e: {  	_ =	shalt  }
0x3f: {  	_ =	shalt  }
0x40: {  	_ =	shalt  }
0x41: {  	_ =	shalt  }
0x42: {  	_ =	shalt  }
0x43: {  	_ =	shalt  }
0x44: {  	_ =	shalt  }
0x45: {  	_ =	shalt  }
0x46: {  	_ =	shalt  }
0x47: {  	_ =	shalt  }
0x48: {  	_ =	shalt  }
0x49: {  	_ =	shalt  }
0x4a: {  	_ =	shalt  }
0x4b: {  	_ =	shalt  }
0x4c: {  	_ =	shalt  }
0x4d: {  	_ =	shalt  }
0x4e: {  	_ =	shalt  }
0x4f: {  	_ =	shalt  }
0x50: {  	_ =	shalt  }
0x51: {  	_ =	shalt  }
0x52: {  	_ =	shalt  }
0x53: {  	_ =	shalt  }
0x54: {  	_ =	shalt  }
0x55: {  	_ =	shalt  }
0x56: {  	_ =	shalt  }
0x57: {  	_ =	shalt  }
0x58: {  	_ =	shalt  }
0x59: {  	_ =	shalt  }
0x5a: {  	_ =	shalt  }
0x5b: {  	_ =	shalt  }
0x5c: {  	_ =	shalt  }
0x5d: {  	_ =	shalt  }
0x5e: {  	_ =	shalt  }
0x5f: {  	_ =	shalt  }
0x60: {  	_ =	shalt  }
0x61: {  	_ =	shalt  }
0x62: {  	_ =	shalt  }
0x63: {  	_ =	shalt  }
0x64: {  	_ =	shalt  }
0x65: {  	_ =	shalt  }
0x66: {  	_ =	shalt  }
0x67: {  	_ =	shalt  }
0x68: {  	_ =	shalt  }
0x69: {  	_ =	shalt  }
0x6a: {  	_ =	shalt  }
0x6b: {  	_ =	shalt  }
0x6c: {  	_ =	shalt  }
0x6d: {  	_ =	shalt  }
0x6e: {  	_ =	shalt  }
0x6f: {  	_ =	shalt  }
0x70: {  	_ =	shalt  }
0x71: {  	_ =	shalt  }
0x72: {  	_ =	shalt  }
0x73: {  	_ =	shalt  }
0x74: {  	_ =	shalt  }
0x75: {  	_ =	shalt  }
0x76: {  	_ =	shalt  }
0x77: {  	_ =	shalt  }
0x78: {  	_ =	shalt  }
0x79: {  	_ =	shalt  }
0x7a: {  	_ =	shalt  }
0x7b: {  	_ =	shalt  }
0x7c: {  	_ =	shalt  }
0x7d: {  	_ =	shalt  }
0x7e: {  	_ =	shalt  }
0x7f: {  	_ =	shalt  }
0x80: {  	_ =	shalt  }
0x81: {  	_ =	shalt  }
0x82: {  	_ =	shalt  }
0x83: {  	_ =	shalt  }
0x84: {  	_ =	shalt  }
0x85: {  	_ =	shalt  }
0x86: {  	_ =	shalt  }
0x87: {  	_ =	shalt  }
.Lfunc_end0:
.L_simem_size_0:
called_computation_lowered:
.L_overlay_start_0:
0x88: {  	s2 =	sld [smem:$0x3FD9]  }
0x89: {  	s3 =	sld [smem:$0x3FFE];
	_ =	sdelay $0x1  }
0x8a: {  	s1 =	srdreg.scid  }
0x8b: {  	s0 =	sand.u32 $0x1, s1  }
0x8c: {  	s17 =	sshll.u32 s0, $0xA;
	s2 =	sadd.s32 s3, s2  }
0x8d: {  	s2 =	sadd.s32 s2, s17  }
0x8e: {  	[smem:$0x3FC4] =	sst s2  }
0x8f: {  	_ = 	snop  }
0x90: {  	s2 =	sld [smem:$0x3FD0];
	(tm) =	ssettm $0x1  }
0x91: {  	s18 =	sld [smem:$0x3FFB];
	_ =	sdelay $0x3  }
0x92: {  	_ =	strace s18  }
0x93: {  	s3 =	sld [smem:$0x3FFC];
	_ =	sdelay $0x3  }
0x94: {  	_ =	strace s3  }
0x95: {  	s3 =	sld [smem:$0x3FFD];
	_ =	sdelay $0x3  }
0x96: {  	_ =	strace s3  }
0x97: {  	_ =	strace $0x8FFFFFFF  }
0x98: {  	s19 =	sld [smem:$0x3FDB];
	_ =	sdelay $0x1  }
0x99: {  	s4 =	simm.s32 $_scs_section_size  }
0x9a: {  	s5 =	simm.s32 $_size__tile_overlayer_lowered;
	s6 =	simm.s32 $_tile_overlayer_lowered  }
0x9b: {  	s22 =	simm.s32 $0x1BFF;
	s21 =	sshll.u32 s6, $0x1;
	s3 =	sadd.s32 s4, s19  }
0x9c: {  	s7 =	simm.s32 $0x0;
	s20 =	sshll.u32 s5, $0x1;
	s5 =	sadd.s32 s21, s3  }
0x9d: {  	[timem:s7], [sflag:s22] =	dma.local [hbm:s5], s20  }
0x9e: {  	_ =	swait.ge [sflag:s22], s20  }
0x9f: {  	s4 =	ssub.s32 $0x0, s20;
	[sflag:s22] =	ssyncset.done $0x0  }
0xa0: {  	[sflag:s22] =	ssyncadd.s32 s4;
	_ =	sdelay $0x1  }
0xa1: {  	s23 =	simm.s32 $0x1B8B  }
0xa2: {  	_ =	swait.ge [sflag:s23], $0x1  }
0xa3: {  	[sflag:s23] =	ssyncset.done $0x0  }
0xa4: {  	s25 =	simm.s32 $0x1B8E;
	s24 =	sld [smem:$0x3FFE];
	[sflag:s23] =	ssyncadd.s32 $0xFFFFFFFF  }
0xa5: {  	s26 =	simm.s32 $execute0_lowered;
	[smem:$0x3FD2] =	sst s25  }
0xa6: {  	s5 =	sshll.u32 s26, $0x1;
	_ =	strace $0x80000046;
	[dreg:$0x1] =	wrdreg $0xFFFFFFFF  }
0xa7: {  	s28 =	simm.s32 $_size_execute0_lowered;
	s3 =	sadd.s32 s3, s5;
	[dreg:$0x0] =	wrdreg $0x0  }
0xa8: {  	s5 =	sshll.u32 s28, $0x1;
	[dreg:$0x2] =	wrdreg s3  }
0xa9: {  	[dreg:$0x3] =	wrdreg s5  }
0xaa: {  	[dreg:$0x4] =	wrdreg $0xC0  }
0xab: {  	_ =	task [dreg:s7], $0x5FFFF  }
0xac: {  	[dreg:$0x1] =	wrdreg $0xFFFFFFFF  }
0xad: {  	[dreg:$0x0] =	wrdreg $0x60  }
0xae: {  	[dreg:$0x2] =	wrdreg s24  }
0xaf: {  	[dreg:$0x3] =	wrdreg s2  }
0xb0: {  	[dreg:$0x4] =	wrdreg $0x9  }
0xb1: {  	_ =	task.clear_ibuf [dreg:s7], $0x5FFFF;
	_ =	strace $0x90000046  }
0xb2: {  	s29 =	simm.s32 $0x9;
	_ =	strace $0x80000048  }
0xb3: {  	_ =	swait.ge [sflag:s29], $0x1  }
0xb4: {  	[sflag:s29] =	ssyncadd.s32 $0xFFFFFFFF  }
0xb5: {  	_ =	strace $0x90000048  }
0xb6: {  	_ =	sfence  }
0xb7: {  	s30 =	sld [smem:$0x0];
	_ =	sdelay $0x2  }
0xb8: {  	s31 =	sshll.u32 s1, $0xD;
	s1 =	sshrl.u32 s1, $0x2  }
0xb9: {  	s3 =	sand.u32 $0x4000, s31;
	s1 =	sadd.s32 s1, s30  }
0xba: {  	s0 =	sor.u32 s3, s0;
	s1 =	sshll.u32 s1, $0x11  }
0xbb: {  	s0 =	sor.u32 s1, s0  }
0xbc: {  	s0 =	sadd.s32 $0x8F2B, s0  }
0xbd: {  	[sflag:s0] =	ssyncadd.remote.s32 $0x1  }
0xbe: {  	_ =	sfence.sel $0xFFFF  }
0xbf: {  	[dreg:$0x0] =	wrdreg $0xFFFFFFFF;
	(pc) =	sbr.abs _section_cstart, $3  }
0xc0: {  	[dreg:$0x1] =	wrdreg $0xFFFFFFFF  }
0xc1: {  	_ =	task.clear_ibuf [dreg:s7], $0x2FFFF;
	_ =	strace $0x9FFFFFFF  }
0xc2: {  	(tm) =	ssettm $0x7FFFFFFF  }
0xc3: {  	_ =	shalt  }
tec
execute0_lowered:
.L_overlay_start_1:
0x0: {  	(tag) =	ssettag $0x1  }
0x1: {  	s0 =	srdreg.scid;
	s5 =	rddreg [dreg:$0x0]  }
0x2: {  	s7 =	rddreg [dreg:$0x1];
	s2 =	simm.s32 $0x0;
	s11 =	simm.s32 $0x4800  }
0x3: {  	s12 =	simm.s32 $0x9000;
	s13 =	simm.s32 $0x17800;
	s14 =	simm.s32 $0x0  }
0x4: {  	s3 =	sand.u32 $0x1, s0;
	s0 =	stileid.u32;
	[smem:$0x7FF] =	sst s2  }
0x5: {  	s1 =	sshll.u32 s3, $0x4;
	s9 =	ssub.s32 $0x2, s3;
	s3 =	sadd.s32 $0x36C00, s5  }
0x6: {  	s6 =	sor.u32 s0, s1;
	s1 =	rddreg [dreg:$0x2];
	_ =	strace $0x80000047  }
0x7: {  	s10 =	sshrl.u32 s9, $0x1;
	s4 =	smul.u32 $0x900, s6;
	s31 =	sshll.u32 s6, $0x9  }
0x8: {  	s9 =	ssub.s32 s9, s10;
	s10 =	simm.s32 $0x16800;
	s7 =	sadd.s32 s7, s31  }
0x9: {  	s8 =	sadd.s32 s4, s5;
	s4 =	sadd.s32 $0x12C00, s5;
	s5 =	sadd.s32 $0x48C00, s5  }
0xa: {  	s6 =	sadd.s32 $0xC00, s8;
	s8 =	smax.u32 s9, $0x1;
	s9 =	simm.s32 $0x1  }
.LBB2_1:
0xb: {  	[tilespmem:s2], [sflag:$0x1] =	stream.linear.gather [hbm4b:s6+s2], $0x4800, $0x38;
	[tilespmem:$0x18800] =	vst v63  }
0xc: {  	_ =	swait.ge [sflag:s9], $0x4800  }
0xd: {  	[sflag:s9] =	ssyncset.done $0x0  }
0xe: {  	[sflag:s9] =	ssyncadd.s32 $0xFFFFB800  }
0xf: {  	[tilespmem:s10], [sflag:$0x1] =	stream.linear.gather [hbm4b:s5+s2], $0x1000, $0x38;
	[tilespmem:$0x18800] =	vst v63  }
0x10: {  	_ =	swait.ge [sflag:s9], $0x1000  }
0x11: {  	[sflag:s9] =	ssyncset.done $0x0  }
0x12: {  	s15 =	simm.s32 $0x0;
	[sflag:s9] =	ssyncadd.s32 $0xFFFFF000  }
.LBB2_2:
0x13: {  	s16 =	smul.u32 $0x900, s15;
	_ =	sdelay $0x1  }
0x14: {  	s17 =	simm.s32 $0x0;
	s16 =	sadd.s32 s3, s16  }
0x15: {  	[tilespmem:s11], [sflag:$0x1] =	stream.linear.gather [hbm4b:s16+s17], $0x4800, $0x38;
	[tilespmem:$0x18800] =	vst v63  }
0x16: {  	s31 =	smul.u32 $0x1200, s15;
	_ =	swait.ge [sflag:s9], $0x4800  }
0x17: {  	[sflag:s9] =	ssyncset.done $0x0  }
0x18: {  	s16 =	sadd.s32 s4, s31;
	[sflag:s9] =	ssyncadd.s32 $0xFFFFB800  }
0x19: {  	[tilespmem:s12], [sflag:$0x1] =	stream.linear.gather [hbm4b:s16+s17], $0x9000, $0x38;
	[tilespmem:$0x18800] =	vst v63  }
0x1a: {  	_ =	swait.ge [sflag:s9], $0x9000  }
0x1b: {  	[sflag:s9] =	ssyncset.done $0x0  }
0x1c: {  	s16 =	simm.s32 $0x0;
	[sflag:s9] =	ssyncadd.s32 $0xFFFF7000  }
0x1d: {  	v0 =	vld [tilespmem:s16+$0x0]  }
0x1e: {  	s17 =	simm.s32 $0x200;
	v1 =	vld [tilespmem:s16+$0x4800]  }
.LBB2_3:
0x1f: {  	_ = 	snop  }
0x20: {  	p0 =	sne.s32 s17, $0x11E00  }
.Ltmp0:
0x21: {  	_ = 	snop;
	(pc) =	sbr.rel @p0 .LBB2_3-.Ltmp0, $4  }
0x22: {  	_ = 	snop  }
0x23: {  	s18 =	sshra.s32 s17, $0x2;
	v2 =	vadd.f32 v1, v0  }
0x24: {  	v0 =	vld [tilespmem:s18+$0x0]  }
0x25: {  	s17 =	sadd.s32 $0x200, s17;
	v1 =	vld [tilespmem:s18+$0x4800];
	[tilespmem:s16+$0x12000] =	vst v2;
	s16 =	smov.u32 s18  }
0x26: {  	_ =	sdelay $0x3  }
0x27: {  	v0 =	vadd.f32 v1, v0;
	_ =	sdelay $0x1  }
0x28: {  	s17 =	simm.s32 $0x12200;
	[tilespmem:s16+$0x12000] =	vst v0  }
0x29: {  	v2 =	vld [tilespmem:s17+$0xFFFFFE00]  }
0x2a: {  	v3 =	vld [tilespmem:s17+$0xFFFFFE80]  }
0x2b: {  	v4 =	vld [tilespmem:s17+$0xFFFFFF00]  }
0x2c: {  	v1 =	vld [tilespmem:s17+$0xFFFFFF80]  }
0x2d: {  	v0 =	vld [tilespmem:s17+$0x0]  }
0x2e: {  	v5 =	vimm.f32 $0.0e+00;
	v6 =	vand.u32 $0x7FFFFFFF, v2;
	v2 =	vld [tilespmem:s17+$0x80]  }
0x2f: {  	v5 =	vmax.f32 v5, v6;
	v6 =	vand.u32 $0x7FFFFFFF, v3;
	v3 =	vld [tilespmem:s17+$0x100]  }
0x30: {  	s16 =	simm.s32 $0x0;
	v5 =	vmax.f32 v5, v6;
	v6 =	vand.u32 $0x7FFFFFFF, v4;
	v4 =	vld [tilespmem:s17+$0x180];
	s17 =	simm.s32 $0x12600  }
.LBB2_5:
0x31: {  	v7 =	vld [tilespmem:s17+$0xFFFFFE00];
	s16 =	sadd.s32 $0x8, s16;
	v5 =	vmax.f32 v5, v6;
	v1 =	vand.u32 $0x7FFFFFFF, v1  }
0x32: {  	v6 =	vld [tilespmem:s17+$0xFFFFFE80];
	p0 =	slt.u32 s16, $0x88;
	v1 =	vmax.f32 v5, v1;
	v0 =	vand.u32 $0x7FFFFFFF, v0  }
0x33: {  	v8 =	vld [tilespmem:s17+$0xFFFFFF00];
	v0 =	vmax.f32 v1, v0;
	v2 =	vand.u32 $0x7FFFFFFF, v2  }
.Ltmp1:
0x34: {  	v1 =	vld [tilespmem:s17+$0xFFFFFF80];
	v2 =	vmax.f32 v0, v2;
	v3 =	vand.u32 $0x7FFFFFFF, v3;
	(pc) =	sbr.rel @p0 .LBB2_5-.Ltmp1, $4  }
0x35: {  	v0 =	vld [tilespmem:s17+$0x0];
	v3 =	vmax.f32 v2, v3;
	v4 =	vand.u32 $0x7FFFFFFF, v4  }
0x36: {  	v5 =	vand.u32 $0x7FFFFFFF, v7;
	v2 =	vld [tilespmem:s17+$0x80];
	v3 =	vmax.f32 v3, v4  }
0x37: {  	v4 =	vmax.f32 v3, v5;
	v5 =	vand.u32 $0x7FFFFFFF, v6;
	v3 =	vld [tilespmem:s17+$0x100]  }
0x38: {  	v5 =	vmax.f32 v4, v5;
	v6 =	vand.u32 $0x7FFFFFFF, v8;
	v4 =	vld [tilespmem:s17+$0x180];
	s17 =	sadd.s32 $0x400, s17  }
0x39: {  	v5 =	vmax.f32 v5, v6;
	v1 =	vand.u32 $0x7FFFFFFF, v1  }
0x3a: {  	v1 =	vmax.f32 v5, v1;
	v0 =	vand.u32 $0x7FFFFFFF, v0  }
0x3b: {  	v0 =	vmax.f32 v1, v0;
	v1 =	vand.u32 $0x7FFFFFFF, v2  }
0x3c: {  	v0 =	vmax.f32 v0, v1;
	v1 =	vand.u32 $0x7FFFFFFF, v3  }
0x3d: {  	v0 =	vmax.f32 v0, v1;
	v1 =	vand.u32 $0x7FFFFFFF, v4  }
0x3e: {  	v0 =	vmax.f32 v0, v1  }
0x3f: {  	v1 =	vsub.f32 $0.0e+00, v0  }
0x40: {  	s16 =	sshll.u32 s15, $0x7  }
0x41: {  	s17 =	simm.s32 $0x0;
	v3 =	vld [tilespmem:s16+$0x16800];
	v2 =	vadd.f32 $-1.000000050e-03, v1;
	v1 =	vadd.f32 $1.000000050e-03, v0  }
.LBB2_7:
0x42: {  	s18 =	simm.s32 $0x0  }
0x43: {  	v6 =	vld [tilespmem:s18+$0x12000]  }
0x44: {  	v4 =	vadd.f32 v1, v2;
	v7 =	vld [tilespmem:s18+$0x9000];
	_ =	sdelay $0x1  }
0x45: {  	v8 =	vld [tilespmem:s18+$0xD800];
	v4 =	vmul.f32 $5.000000000e-01, v4  }
0x46: {  	v9 =	vld [tilespmem:s18+$0x12080]  }
0x47: {  	v10 =	vld [tilespmem:s18+$0x9080];
	v5 =	vsub.f32 $0.0e+00, v4;
	vm0 =	vge.f32 v6, v4  }
0x48: {  	v11 =	vimm.f32 $0.0e+00;
	v7 =	vnsel vm0, $0x0, v7  }
0x49: {  	vm12 =	vle.f32 v6, v5;
	v6 =	vld [tilespmem:s18+$0xD880];
	v7 =	vadd.f32 v7, v11  }
0x4a: {  	v8 =	vnsel vm12, $0x0, v8;
	v11 =	vld [tilespmem:s18+$0x12100]  }
0x4b: {  	vm13 =	vge.f32 v9, v4;
	v7 =	vadd.f32 v8, v7;
	v8 =	vld [tilespmem:s18+$0x9100]  }
0x4c: {  	v10 =	vnsel vm13, $0x0, v10  }
0x4d: {  	vm14 =	vle.f32 v9, v5;
	v9 =	vld [tilespmem:s18+$0xD900];
	v7 =	vadd.f32 v10, v7  }
0x4e: {  	v6 =	vnsel vm14, $0x0, v6;
	v10 =	vld [tilespmem:s18+$0x12180]  }
0x4f: {  	vm15 =	vge.f32 v11, v4;
	v6 =	vadd.f32 v6, v7;
	v7 =	vld [tilespmem:s18+$0x9180]  }
0x50: {  	v8 =	vnsel vm15, $0x0, v8  }
0x51: {  	vm4 =	vle.f32 v11, v5;
	v6 =	vadd.f32 v8, v6;
	v8 =	vld [tilespmem:s18+$0xD980]  }
0x52: {  	v11 =	vld [tilespmem:s18+$0x12200];
	v9 =	vnsel vm4, $0x0, v9  }
0x53: {  	vm5 =	vge.f32 v10, v4;
	v6 =	vadd.f32 v9, v6;
	v9 =	vld [tilespmem:s18+$0x9200]  }
0x54: {  	v7 =	vnsel vm5, $0x0, v7  }
0x55: {  	vm6 =	vle.f32 v10, v5;
	v6 =	vadd.f32 v7, v6;
	v7 =	vld [tilespmem:s18+$0xDA00]  }
0x56: {  	v10 =	vld [tilespmem:s18+$0x12280];
	v8 =	vnsel vm6, $0x0, v8  }
0x57: {  	vm7 =	vge.f32 v11, v4;
	v6 =	vadd.f32 v8, v6;
	v8 =	vld [tilespmem:s18+$0x9280]  }
0x58: {  	v9 =	vnsel vm7, $0x0, v9  }
0x59: {  	vm8 =	vle.f32 v11, v5;
	v6 =	vadd.f32 v9, v6;
	v9 =	vld [tilespmem:s18+$0xDA80]  }
0x5a: {  	v11 =	vld [tilespmem:s18+$0x12300];
	v7 =	vnsel vm8, $0x0, v7  }
0x5b: {  	vm9 =	vge.f32 v10, v4;
	v6 =	vadd.f32 v7, v6;
	v7 =	vld [tilespmem:s18+$0x9300]  }
0x5c: {  	v8 =	vnsel vm9, $0x0, v8  }
0x5d: {  	vm10 =	vle.f32 v10, v5;
	v6 =	vadd.f32 v8, v6;
	v8 =	vld [tilespmem:s18+$0xDB00]  }
0x5e: {  	v10 =	vld [tilespmem:s18+$0x12380];
	v9 =	vnsel vm10, $0x0, v9  }
0x5f: {  	vm11 =	vge.f32 v11, v4;
	v6 =	vadd.f32 v9, v6;
	v9 =	vld [tilespmem:s18+$0x9380]  }
0x60: {  	v7 =	vnsel vm11, $0x0, v7  }
0x61: {  	vm12 =	vle.f32 v11, v5;
	v6 =	vadd.f32 v7, v6;
	v7 =	vld [tilespmem:s18+$0xDB80]  }
0x62: {  	v11 =	vld [tilespmem:s18+$0x12400];
	v8 =	vnsel vm12, $0x0, v8  }
0x63: {  	vm13 =	vge.f32 v10, v4;
	v6 =	vadd.f32 v8, v6;
	v8 =	vld [tilespmem:s18+$0x9400]  }
0x64: {  	v9 =	vnsel vm13, $0x0, v9  }
0x65: {  	vm14 =	vle.f32 v10, v5;
	v6 =	vadd.f32 v9, v6;
	v9 =	vld [tilespmem:s18+$0xDC00]  }
0x66: {  	v10 =	vld [tilespmem:s18+$0x12480];
	v7 =	vnsel vm14, $0x0, v7  }
0x67: {  	vm15 =	vge.f32 v11, v4;
	v6 =	vadd.f32 v7, v6;
	v7 =	vld [tilespmem:s18+$0x9480]  }
0x68: {  	v8 =	vnsel vm15, $0x0, v8  }
0x69: {  	vm4 =	vle.f32 v11, v5;
	v6 =	vadd.f32 v8, v6;
	v8 =	vld [tilespmem:s18+$0xDC80]  }
0x6a: {  	v11 =	vld [tilespmem:s18+$0x12500];
	v9 =	vnsel vm4, $0x0, v9  }
0x6b: {  	vm5 =	vge.f32 v10, v4;
	v6 =	vadd.f32 v9, v6;
	v9 =	vld [tilespmem:s18+$0x9500]  }
0x6c: {  	v7 =	vnsel vm5, $0x0, v7  }
0x6d: {  	vm6 =	vle.f32 v10, v5;
	v6 =	vadd.f32 v7, v6;
	v7 =	vld [tilespmem:s18+$0xDD00]  }
0x6e: {  	v10 =	vld [tilespmem:s18+$0x12580];
	v8 =	vnsel vm6, $0x0, v8  }
0x6f: {  	vm7 =	vge.f32 v11, v4;
	v6 =	vadd.f32 v8, v6;
	v8 =	vld [tilespmem:s18+$0x9580]  }
0x70: {  	v9 =	vnsel vm7, $0x0, v9  }
0x71: {  	vm8 =	vle.f32 v11, v5;
	v6 =	vadd.f32 v9, v6;
	v9 =	vld [tilespmem:s18+$0xDD80]  }
0x72: {  	v11 =	vld [tilespmem:s18+$0x12600];
	v7 =	vnsel vm8, $0x0, v7  }
0x73: {  	vm9 =	vge.f32 v10, v4;
	v6 =	vadd.f32 v7, v6;
	v7 =	vld [tilespmem:s18+$0x9600]  }
0x74: {  	v8 =	vnsel vm9, $0x0, v8  }
0x75: {  	vm10 =	vle.f32 v10, v5;
	v6 =	vadd.f32 v8, v6;
	v8 =	vld [tilespmem:s18+$0xDE00]  }
0x76: {  	v10 =	vld [tilespmem:s18+$0x12680];
	v9 =	vnsel vm10, $0x0, v9  }
0x77: {  	vm11 =	vge.f32 v11, v4;
	v6 =	vadd.f32 v9, v6;
	v9 =	vld [tilespmem:s18+$0x9680]  }
0x78: {  	v7 =	vnsel vm11, $0x0, v7  }
0x79: {  	v12 =	vld [tilespmem:s18+$0xDE80];
	vm12 =	vle.f32 v11, v5;
	v7 =	vadd.f32 v7, v6  }
0x7a: {  	v6 =	vld [tilespmem:s18+$0x12700];
	v8 =	vnsel vm12, $0x0, v8  }
0x7b: {  	v11 =	vld [tilespmem:s18+$0x9700];
	vm13 =	vge.f32 v10, v4;
	v7 =	vadd.f32 v8, v7  }
0x7c: {  	v8 =	vnsel vm13, $0x0, v9  }
0x7d: {  	vm14 =	vle.f32 v10, v5;
	v9 =	vadd.f32 v8, v7;
	v8 =	vld [tilespmem:s18+$0xDF00]  }
0x7e: {  	v10 =	vnsel vm14, $0x0, v12;
	v7 =	vld [tilespmem:s18+$0x12780]  }
0x7f: {  	vm15 =	vge.f32 v6, v4;
	v10 =	vadd.f32 v10, v9;
	v9 =	vld [tilespmem:s18+$0x9780]  }
0x80: {  	s19 =	simm.s32 $0x0;
	s20 =	simm.s32 $0x2000;
	v11 =	vnsel vm15, $0x0, v11  }
.LBB2_8:
0x81: {  	s19 =	sadd.s32 $0x10, s19;
	v10 =	vadd.f32 v11, v10;
	vm0 =	vle.f32 v6, v5;
	v6 =	vld [tilespmem:s18+$0xDF80];
	s18 =	sshra.s32 s20, $0x2  }
0x82: {  	v11 =	vld [tilespmem:s18+$0x12000];
	p0 =	slt.u32 s19, $0x80;
	v8 =	vnsel vm0, $0x0, v8  }
0x83: {  	v12 =	vld [tilespmem:s18+$0x9000];
	v8 =	vadd.f32 v8, v10;
	vm0 =	vge.f32 v7, v4  }
0x84: {  	v9 =	vnsel vm0, $0x0, v9  }
0x85: {  	vm0 =	vle.f32 v7, v5;
	v10 =	vld [tilespmem:s18+$0xD800];
	v8 =	vadd.f32 v9, v8  }
0x86: {  	v7 =	vld [tilespmem:s18+$0x12080];
	v6 =	vnsel vm0, $0x0, v6  }
0x87: {  	vm0 =	vge.f32 v11, v4;
	v9 =	vld [tilespmem:s18+$0x9080];
	v6 =	vadd.f32 v6, v8  }
0x88: {  	v8 =	vnsel vm0, $0x0, v12  }
0x89: {  	vm0 =	vle.f32 v11, v5;
	v6 =	vadd.f32 v8, v6;
	v8 =	vld [tilespmem:s18+$0xD880]  }
0x8a: {  	v10 =	vnsel vm0, $0x0, v10;
	v11 =	vld [tilespmem:s18+$0x12100]  }
0x8b: {  	v6 =	vadd.f32 v10, v6;
	vm0 =	vge.f32 v7, v4;
	v10 =	vld [tilespmem:s18+$0x9100]  }
0x8c: {  	v9 =	vnsel vm0, $0x0, v9  }
0x8d: {  	vm0 =	vle.f32 v7, v5;
	v6 =	vadd.f32 v9, v6;
	v7 =	vld [tilespmem:s18+$0xD900]  }
0x8e: {  	v8 =	vnsel vm0, $0x0, v8;
	v9 =	vld [tilespmem:s18+$0x12180]  }
0x8f: {  	v6 =	vadd.f32 v8, v6;
	vm0 =	vge.f32 v11, v4;
	v8 =	vld [tilespmem:s18+$0x9180]  }
0x90: {  	v10 =	vnsel vm0, $0x0, v10  }
0x91: {  	vm0 =	vle.f32 v11, v5;
	v6 =	vadd.f32 v10, v6;
	v10 =	vld [tilespmem:s18+$0xD980]  }
0x92: {  	v7 =	vnsel vm0, $0x0, v7;
	v11 =	vld [tilespmem:s18+$0x12200]  }
0x93: {  	v6 =	vadd.f32 v7, v6;
	vm0 =	vge.f32 v9, v4;
	v7 =	vld [tilespmem:s18+$0x9200]  }
0x94: {  	v8 =	vnsel vm0, $0x0, v8  }
0x95: {  	vm0 =	vle.f32 v9, v5;
	v6 =	vadd.f32 v8, v6;
	v8 =	vld [tilespmem:s18+$0xDA00]  }
0x96: {  	v9 =	vnsel vm0, $0x0, v10;
	v10 =	vld [tilespmem:s18+$0x12280]  }
0x97: {  	v6 =	vadd.f32 v9, v6;
	vm0 =	vge.f32 v11, v4;
	v9 =	vld [tilespmem:s18+$0x9280]  }
0x98: {  	v7 =	vnsel vm0, $0x0, v7  }
0x99: {  	vm0 =	vle.f32 v11, v5;
	v6 =	vadd.f32 v7, v6;
	v7 =	vld [tilespmem:s18+$0xDA80]  }
0x9a: {  	v8 =	vnsel vm0, $0x0, v8;
	v11 =	vld [tilespmem:s18+$0x12300]  }
0x9b: {  	v6 =	vadd.f32 v8, v6;
	vm0 =	vge.f32 v10, v4;
	v8 =	vld [tilespmem:s18+$0x9300]  }
0x9c: {  	v9 =	vnsel vm0, $0x0, v9  }
0x9d: {  	vm0 =	vle.f32 v10, v5;
	v6 =	vadd.f32 v9, v6;
	v9 =	vld [tilespmem:s18+$0xDB00]  }
0x9e: {  	v7 =	vnsel vm0, $0x0, v7;
	v10 =	vld [tilespmem:s18+$0x12380]  }
0x9f: {  	v6 =	vadd.f32 v7, v6;
	vm0 =	vge.f32 v11, v4;
	v7 =	vld [tilespmem:s18+$0x9380]  }
0xa0: {  	v8 =	vnsel vm0, $0x0, v8  }
0xa1: {  	vm0 =	vle.f32 v11, v5;
	v6 =	vadd.f32 v8, v6;
	v8 =	vld [tilespmem:s18+$0xDB80]  }
0xa2: {  	v9 =	vnsel vm0, $0x0, v9;
	v11 =	vld [tilespmem:s18+$0x12400]  }
0xa3: {  	v6 =	vadd.f32 v9, v6;
	vm0 =	vge.f32 v10, v4;
	v9 =	vld [tilespmem:s18+$0x9400]  }
0xa4: {  	v7 =	vnsel vm0, $0x0, v7  }
0xa5: {  	vm0 =	vle.f32 v10, v5;
	v6 =	vadd.f32 v7, v6;
	v7 =	vld [tilespmem:s18+$0xDC00]  }
0xa6: {  	v8 =	vnsel vm0, $0x0, v8;
	v10 =	vld [tilespmem:s18+$0x12480]  }
0xa7: {  	v6 =	vadd.f32 v8, v6;
	vm0 =	vge.f32 v11, v4;
	v8 =	vld [tilespmem:s18+$0x9480]  }
0xa8: {  	v9 =	vnsel vm0, $0x0, v9  }
0xa9: {  	vm0 =	vle.f32 v11, v5;
	v6 =	vadd.f32 v9, v6;
	v9 =	vld [tilespmem:s18+$0xDC80]  }
0xaa: {  	v7 =	vnsel vm0, $0x0, v7;
	v11 =	vld [tilespmem:s18+$0x12500]  }
0xab: {  	v6 =	vadd.f32 v7, v6;
	vm0 =	vge.f32 v10, v4;
	v7 =	vld [tilespmem:s18+$0x9500]  }
0xac: {  	v8 =	vnsel vm0, $0x0, v8  }
0xad: {  	vm0 =	vle.f32 v10, v5;
	v6 =	vadd.f32 v8, v6;
	v8 =	vld [tilespmem:s18+$0xDD00]  }
0xae: {  	v9 =	vnsel vm0, $0x0, v9;
	v10 =	vld [tilespmem:s18+$0x12580]  }
0xaf: {  	v6 =	vadd.f32 v9, v6;
	vm0 =	vge.f32 v11, v4;
	v9 =	vld [tilespmem:s18+$0x9580]  }
0xb0: {  	v7 =	vnsel vm0, $0x0, v7  }
0xb1: {  	vm0 =	vle.f32 v11, v5;
	v6 =	vadd.f32 v7, v6;
	v7 =	vld [tilespmem:s18+$0xDD80]  }
0xb2: {  	v8 =	vnsel vm0, $0x0, v8;
	v11 =	vld [tilespmem:s18+$0x12600]  }
0xb3: {  	v6 =	vadd.f32 v8, v6;
	vm0 =	vge.f32 v10, v4;
	v8 =	vld [tilespmem:s18+$0x9600]  }
0xb4: {  	v9 =	vnsel vm0, $0x0, v9  }
0xb5: {  	vm0 =	vle.f32 v10, v5;
	v6 =	vadd.f32 v9, v6;
	v9 =	vld [tilespmem:s18+$0xDE00]  }
0xb6: {  	v7 =	vnsel vm0, $0x0, v7;
	v10 =	vld [tilespmem:s18+$0x12680]  }
0xb7: {  	v6 =	vadd.f32 v7, v6;
	vm0 =	vge.f32 v11, v4;
	v7 =	vld [tilespmem:s18+$0x9680]  }
0xb8: {  	v8 =	vnsel vm0, $0x0, v8  }
0xb9: {  	vm0 =	vle.f32 v11, v5;
	v8 =	vadd.f32 v8, v6;
	v11 =	vld [tilespmem:s18+$0xDE80]  }
0xba: {  	v9 =	vnsel vm0, $0x0, v9;
	v6 =	vld [tilespmem:s18+$0x12700]  }
0xbb: {  	v8 =	vadd.f32 v9, v8;
	vm0 =	vge.f32 v10, v4;
	v12 =	vld [tilespmem:s18+$0x9700]  }
.Ltmp2:
0xbc: {  	v7 =	vnsel vm0, $0x0, v7;
	(pc) =	sbr.rel @p0 .LBB2_8-.Ltmp2, $4  }
0xbd: {  	vm0 =	vle.f32 v10, v5;
	v9 =	vadd.f32 v7, v8;
	v8 =	vld [tilespmem:s18+$0xDF00]  }
0xbe: {  	v10 =	vnsel vm0, $0x0, v11;
	v7 =	vld [tilespmem:s18+$0x12780]  }
0xbf: {  	v10 =	vadd.f32 v10, v9;
	vm0 =	vge.f32 v6, v4;
	v9 =	vld [tilespmem:s18+$0x9780]  }
0xc0: {  	s20 =	sadd.s32 $0x2000, s20;
	v11 =	vnsel vm0, $0x0, v12  }
0xc1: {  	v10 =	vadd.f32 v11, v10;
	vm0 =	vle.f32 v6, v5;
	v63 =	vld [tilespmem:s18+$0xDF80]  }
0xc2: {  	v8 =	vnsel vm0, $0x0, v8  }
0xc3: {  	v8 =	vadd.f32 v8, v10;
	vm13 =	vge.f32 v7, v4  }
0xc4: {  	s17 =	sadd.s32 $0x1, s17;
	v9 =	vnsel vm13, $0x0, v9  }
0xc5: {  	p0 =	sne.s32 s17, $0x1A;
	vm14 =	vle.f32 v7, v5;
	v8 =	vadd.f32 v9, v8  }
.Ltmp3:
0xc6: {  	v5 =	vnsel vm14, $0x0, v63;
	(pc) =	sbr.rel @p0 .LBB2_7-.Ltmp3, $3  }
0xc7: {  	v5 =	vadd.f32 v5, v8;
	_ =	sdelay $0x1  }
0xc8: {  	vm15 =	vle.f32 v5, v3  }
0xc9: {  	v2 =	vsel vm15, v2, v4;
	v1 =	vsel vm15, v4, v1  }
0xca: {  	s17 =	simm.s32 $0x12200  }
0xcb: {  	v2 =	vld [tilespmem:s17+$0x180]  }
0xcc: {  	v4 =	vld [tilespmem:s17+$0x100]  }
0xcd: {  	v7 =	vld [tilespmem:s17+$0x80]  }
0xce: {  	v5 =	vld [tilespmem:s17+$0x0]  }
0xcf: {  	v12 =	vld [tilespmem:s17+$0xFFFFFF80]  }
0xd0: {  	v11 =	vld [tilespmem:s17+$0xFFFFFE00]  }
0xd1: {  	v13 =	vld [tilespmem:s17+$0xFFFFFF00]  }
0xd2: {  	v14 =	vld [tilespmem:s17+$0xFFFFFE80]  }
0xd3: {  	v3 =	vsub.f32 $0.0e+00, v2  }
0xd4: {  	v8 =	vsub.f32 $0.0e+00, v7;
	v6 =	vsub.f32 $0.0e+00, v4  }
0xd5: {  	v15 =	vimm.f32 $3.000000010e+38;
	v16 =	vsub.f32 $0.0e+00, v11;
	v9 =	vsub.f32 $0.0e+00, v5  }
0xd6: {  	vm0 =	vge.f32 v11, v1;
	v17 =	vsub.f32 $0.0e+00, v13;
	v10 =	vsub.f32 $0.0e+00, v12  }
0xd7: {  	v18 =	vsub.f32 $0.0e+00, v14;
	v11 =	vnsel vm0, $0x7F61B1E6, v11;
	vm0 =	vge.f32 v16, v1  }
0xd8: {  	v11 =	vmin.f32 v15, v11;
	v15 =	vnsel vm0, $0x7F61B1E6, v16;
	vm0 =	vge.f32 v14, v1  }
0xd9: {  	v11 =	vmin.f32 v11, v15;
	v14 =	vnsel vm0, $0x7F61B1E6, v14;
	vm0 =	vge.f32 v18, v1  }
0xda: {  	v11 =	vmin.f32 v11, v14;
	v14 =	vnsel vm0, $0x7F61B1E6, v18;
	vm0 =	vge.f32 v13, v1  }
0xdb: {  	v11 =	vmin.f32 v11, v14;
	v13 =	vnsel vm0, $0x7F61B1E6, v13;
	vm0 =	vge.f32 v17, v1  }
0xdc: {  	v11 =	vmin.f32 v11, v13;
	v13 =	vnsel vm0, $0x7F61B1E6, v17;
	vm0 =	vge.f32 v12, v1  }
0xdd: {  	s18 =	simm.s32 $0x12600;
	s17 =	simm.s32 $0x0;
	v11 =	vmin.f32 v11, v13;
	v12 =	vnsel vm0, $0x7F61B1E6, v12;
	vm0 =	vge.f32 v10, v1  }
.LBB2_11:
0xde: {  	v13 =	vld [tilespmem:s18+$0x180];
	v11 =	vmin.f32 v11, v12;
	v10 =	vnsel vm0, $0x7F61B1E6, v10;
	vm0 =	vge.f32 v5, v1  }
0xdf: {  	v12 =	vld [tilespmem:s18+$0x100];
	v10 =	vmin.f32 v11, v10;
	v5 =	vnsel vm0, $0x7F61B1E6, v5;
	vm0 =	vge.f32 v9, v1  }
0xe0: {  	v11 =	vld [tilespmem:s18+$0x80];
	v10 =	vmin.f32 v10, v5;
	v9 =	vnsel vm0, $0x7F61B1E6, v9;
	vm0 =	vge.f32 v7, v1  }
0xe1: {  	v5 =	vld [tilespmem:s18+$0x0];
	v9 =	vmin.f32 v10, v9;
	v7 =	vnsel vm0, $0x7F61B1E6, v7;
	vm0 =	vge.f32 v8, v1  }
0xe2: {  	v14 =	vld [tilespmem:s18+$0xFFFFFF80];
	v7 =	vmin.f32 v9, v7;
	v8 =	vnsel vm0, $0x7F61B1E6, v8;
	vm0 =	vge.f32 v4, v1  }
0xe3: {  	s17 =	sadd.s32 $0x8, s17;
	v15 =	vld [tilespmem:s18+$0xFFFFFE00];
	v10 =	vmin.f32 v7, v8;
	v8 =	vnsel vm0, $0x7F61B1E6, v4;
	vm0 =	vge.f32 v6, v1  }
0xe4: {  	p0 =	slt.u32 s17, $0x88;
	v16 =	vld [tilespmem:s18+$0xFFFFFF00];
	v9 =	vmin.f32 v10, v8;
	v6 =	vnsel vm0, $0x7F61B1E6, v6;
	vm0 =	vge.f32 v2, v1;
	v4 =	vmovc v12  }
0xe5: {  	v12 =	vld [tilespmem:s18+$0xFFFFFE80];
	v6 =	vmin.f32 v9, v6;
	v8 =	vnsel vm0, $0x7F61B1E6, v2;
	vm0 =	vge.f32 v3, v1;
	v2 =	vmovc v13;
	v7 =	vmovc v11  }
0xe6: {  	v9 =	vmin.f32 v6, v8;
	v10 =	vnsel vm0, $0x7F61B1E6, v3;
	v3 =	vsub.f32 $0.0e+00, v2  }
0xe7: {  	v8 =	vsub.f32 $0.0e+00, v7;
	v6 =	vsub.f32 $0.0e+00, v4;
	v11 =	vmin.f32 v9, v10  }
0xe8: {  	v9 =	vsub.f32 $0.0e+00, v5;
	v13 =	vsub.f32 $0.0e+00, v15  }
0xe9: {  	v10 =	vsub.f32 $0.0e+00, v14;
	vm0 =	vge.f32 v15, v1;
	v17 =	vsub.f32 $0.0e+00, v16  }
0xea: {  	v15 =	vnsel vm0, $0x7F61B1E6, v15;
	vm0 =	vge.f32 v13, v1;
	v18 =	vsub.f32 $0.0e+00, v12  }
0xeb: {  	v11 =	vmin.f32 v11, v15;
	v13 =	vnsel vm0, $0x7F61B1E6, v13;
	vm0 =	vge.f32 v12, v1  }
.Ltmp4:
0xec: {  	v11 =	vmin.f32 v11, v13;
	v12 =	vnsel vm0, $0x7F61B1E6, v12;
	vm0 =	vge.f32 v18, v1;
	(pc) =	sbr.rel @p0 .LBB2_11-.Ltmp4, $4  }
0xed: {  	v11 =	vmin.f32 v11, v12;
	v12 =	vnsel vm0, $0x7F61B1E6, v18;
	vm0 =	vge.f32 v16, v1  }
0xee: {  	v11 =	vmin.f32 v11, v12;
	v12 =	vnsel vm0, $0x7F61B1E6, v16;
	vm0 =	vge.f32 v17, v1  }
0xef: {  	v11 =	vmin.f32 v11, v12;
	v12 =	vnsel vm0, $0x7F61B1E6, v17;
	vm0 =	vge.f32 v14, v1  }
0xf0: {  	s18 =	sadd.s32 $0x400, s18;
	v11 =	vmin.f32 v11, v12;
	v12 =	vnsel vm0, $0x7F61B1E6, v14;
	vm0 =	vge.f32 v10, v1  }
0xf1: {  	v11 =	vmin.f32 v11, v12;
	v10 =	vnsel vm0, $0x7F61B1E6, v10;
	vm7 =	vge.f32 v5, v1  }
0xf2: {  	vm8 =	vge.f32 v9, v1;
	v10 =	vmin.f32 v11, v10;
	v5 =	vnsel vm7, $0x7F61B1E6, v5  }
0xf3: {  	vm9 =	vge.f32 v7, v1;
	v9 =	vnsel vm8, $0x7F61B1E6, v9;
	v5 =	vmin.f32 v10, v5  }
0xf4: {  	vm10 =	vge.f32 v8, v1;
	v7 =	vnsel vm9, $0x7F61B1E6, v7;
	v5 =	vmin.f32 v5, v9  }
0xf5: {  	vm11 =	vge.f32 v4, v1;
	v60 =	vnsel vm10, $0x7F61B1E6, v8;
	v5 =	vmin.f32 v5, v7  }
0xf6: {  	vm12 =	vge.f32 v6, v1;
	v4 =	vnsel vm11, $0x7F61B1E6, v4;
	v5 =	vmin.f32 v5, v60  }
0xf7: {  	vm13 =	vge.f32 v2, v1;
	s15 =	sadd.s32 $0x1, s15;
	v61 =	vnsel vm12, $0x7F61B1E6, v6;
	v4 =	vmin.f32 v5, v4  }
0xf8: {  	vm14 =	vge.f32 v3, v1;
	v2 =	vnsel vm13, $0x7F61B1E6, v2;
	p0 =	sne.s32 s15, $0x20;
	v4 =	vmin.f32 v4, v61  }
.Ltmp5:
0xf9: {  	v63 =	vnsel vm14, $0x7F61B1E6, v3;
	v62 =	vmin.f32 v4, v2;
	(pc) =	sbr.rel @p0 .LBB2_2-.Ltmp5, $4  }
0xfa: {  	v1 =	vmin.f32 v62, v63  }
0xfb: {  	vm15 =	vgt.f32 v1, $9.999999680e+37  }
0xfc: {  	v0 =	vsel vm15, v0, v1  }
0xfd: {  	[tilespmem:s16+$0x17800] =	vst v0  }
0xfe: {  	s14 =	sadd.s32 $0x1, s14  }
0xff: {  	p0 =	sne.s32 s14, s8  }
.Ltmp6:
0x100: {  	_ = 	snop;
	(pc) =	sbr.rel @p0 .LBB2_1-.Ltmp6, $4  }
0x101: {  	[hbm4b:s7+s2] =	stream.linear.scatter [tilespmem:s13], [sflag:$0x1], $0x1000, $0x38;
	[tilespmem:$0x18800] =	vst v63  }
0x102: {  	_ =	swait.ge [sflag:s9], $0x1000  }
0x103: {  	[sflag:s9] =	ssyncset.done $0x0  }
0x104: {  	[sflag:s9] =	ssyncadd.s32 $0xFFFFF000  }
0x105: {  	_ =	sfence.sel $0x180000  }
0x106: {  	[bflag:$0x0] =	sbarrier.arrive $0xFFFF  }
0x107: {  	p0 =	sne.s32 s0, $0x0;
	_ =	strace $0x90000047  }
0x108: {  	s0 =	sadd.s32 @!p0 $0x100000, s1;
	[bflag:$0x2] =	sbarrier.arrive $0xFFFF  }
0x109: {  	[sflag:s0] =	ssyncadd.tile.s32 @!p0 $0x1;
	_ =	shalt  }
.Lfunc_end2:
_tile_overlayer_lowered:
.L_overlay_start_2:
0x10a: {  	(tag) =	ssettag $0x2  }
0x10b: {  	s0 =	rddreg [dreg:$0x0];
	s2 =	stileid.u32  }
0x10c: {  	s1 =	rddreg [dreg:$0x1];
	p0 =	sne.s32 s2, $0x0  }
0x10d: {  	s3 =	rddreg [dreg:$0x2];
	[bflag:$0x3] =	sbarrier.arrive $0xFFFF;
	s2 =	simm.s32 @!p0 $0x1C01  }
0x10e: {  	[timem:s3], [sflag:s2] =	dma.local @!p0 [hbm:s0], s1  }
0x10f: {  	s0 =	simm.s32 @!p0 $0x1  }
0x110: {  	_ =	swait.ge @!p0 [sflag:s0], s1  }
0x111: {  	s1 =	ssub.s32 @!p0 $0x0, s1;
	[sflag:s0] =	ssyncset.done @!p0 $0x0  }
0x112: {  	[sflag:s0] =	ssyncadd.s32 @!p0 s1  }
0x113: {  	[bflag:$0x3] =	sbarrier.arrive $0xFFFF  }
0x114: {  	_ =	shalt  }

</sc_bundles>
